<compile_context>
chip_gen: v7x
topology: tpu7x:2x2x1
jax: 0.10.2.dev20260603
libtpu: 0.0.44.dev20260713+nightly
codegen_flags: <defaults>
</compile_context>

<pallas_src>
import functools

import jax
import jax.numpy as jnp
from jax import lax
from jax.experimental import pallas as pl
from jax.experimental.pallas import tpu as pltpu
from jax.experimental.pallas import tpu_sc as plsc

N = 10000
E = 320000
D = 128
DE = 16
H = 128
L = 2

NC = 2
NS = 16
NW = NC * NS
CHUNK = 128
NCHUNK = 80
EPT = NCHUNK * CHUNK
E_PAD = NW * EPT
ROWS_PER_TILE = 632
ACC_ROWS = NS * ROWS_PER_TILE
WEP = 128
G3 = 3 * H

_sc_mesh = plsc.VectorSubcoreMesh(core_axis_name="c", subcore_axis_name="s")


@functools.partial(
    pl.kernel,
    mesh=_sc_mesh,
    out_type=jax.ShapeDtypeStruct((NC, ACC_ROWS, D), jnp.float32),
    scratch_types=[
        pltpu.VMEM((NCHUNK, CHUNK), jnp.int32),
        pltpu.VMEM((2, 1, CHUNK), jnp.int32),
        pltpu.VMEM_SHARED((ACC_ROWS, D), jnp.float32),
        pltpu.VMEM((CHUNK, D), jnp.float32),
        pltpu.VMEM((CHUNK, D), jnp.float32),
        pltpu.SemaphoreType.DMA,
        pltpu.SemaphoreType.DMA,
        pltpu.SemaphoreType.DMA,
        pltpu.SemaphoreType.DMA,
    ],
)
def _sc_gather_segsum(cur_hbm, src_hbm, dst_hbm, zeros_hbm, out_hbm,
                      src_v, dring, acc_sh, buf0, buf1, g0, g1, j0, j1):
    bufs = (buf0, buf1)
    gsems = (g0, g1)
    jsems = (j0, j1)
    cid = lax.axis_index("c")
    sid = lax.axis_index("s")
    w = cid * NS + sid
    pltpu.sync_copy(zeros_hbm, acc_sh.at[pl.ds(sid * ROWS_PER_TILE, ROWS_PER_TILE)])
    pltpu.sync_copy(src_hbm.at[w], src_v)
    plsc.subcore_barrier()

    def jload(c, s):
        pltpu.async_copy(dst_hbm.at[w * NCHUNK + c], dring.at[s], jsems[s])

    def jwait(s):
        pltpu.make_async_copy(dst_hbm.at[0], dring.at[s], jsems[s]).wait()

    def row_start(c, s):
        pltpu.async_copy(cur_hbm.at[src_v.at[c]], bufs[s], gsems[s])

    def row_wait(c, s):
        pltpu.make_async_copy(cur_hbm.at[src_v.at[c]], bufs[s], gsems[s]).wait()

    jload(0, 0)
    jload(1, 1)
    row_start(0, 0)

    def outer(cc2, carry):
        for s in (0, 1):
            c = cc2 * 2 + s
            row_wait(c, s)

            @pl.when(c + 1 < NCHUNK)
            def _():
                row_start(c + 1, 1 - s)
            jwait(s)
            pltpu.sync_copy(bufs[s], acc_sh.at[dring.at[s, 0]], add=True)

            @pl.when(c + 2 < NCHUNK)
            def _():
                jload(c + 2, s)
        return carry

    lax.fori_loop(0, NCHUNK // 2, outer, None)
    plsc.subcore_barrier()
    pltpu.sync_copy(
        acc_sh.at[pl.ds(sid * ROWS_PER_TILE, ROWS_PER_TILE)],
        out_hbm.at[cid, pl.ds(sid * ROWS_PER_TILE, ROWS_PER_TILE)],
    )


@functools.partial(
    pl.kernel,
    mesh=_sc_mesh,
    out_type=jax.ShapeDtypeStruct((NC, ACC_ROWS, WEP), jnp.float32),
    scratch_types=[
        pltpu.VMEM((2, 1, CHUNK), jnp.int32),
        pltpu.VMEM_SHARED((ACC_ROWS, WEP), jnp.float32),
        pltpu.VMEM((CHUNK, WEP), jnp.float32),
        pltpu.VMEM((CHUNK, WEP), jnp.float32),
        pltpu.SemaphoreType.DMA,
        pltpu.SemaphoreType.DMA,
        pltpu.SemaphoreType.DMA,
        pltpu.SemaphoreType.DMA,
    ],
)
def _sc_edge_segsum(payload_hbm, dst_hbm, zeros_hbm, out_hbm,
                    dring, acc_sh, buf0, buf1, g0, g1, j0, j1):
    bufs = (buf0, buf1)
    gsems = (g0, g1)
    jsems = (j0, j1)
    cid = lax.axis_index("c")
    sid = lax.axis_index("s")
    w = cid * NS + sid
    pltpu.sync_copy(zeros_hbm, acc_sh.at[pl.ds(sid * ROWS_PER_TILE, ROWS_PER_TILE)])
    plsc.subcore_barrier()

    def jload(c, s):
        pltpu.async_copy(dst_hbm.at[w * NCHUNK + c], dring.at[s], jsems[s])

    def jwait(s):
        pltpu.make_async_copy(dst_hbm.at[0], dring.at[s], jsems[s]).wait()

    def row_start(c, s):
        pltpu.async_copy(payload_hbm.at[pl.ds(w * EPT + c * CHUNK, CHUNK)],
                         bufs[s], gsems[s])

    def row_wait(c, s):
        pltpu.make_async_copy(payload_hbm.at[pl.ds(0, CHUNK)],
                              bufs[s], gsems[s]).wait()

    jload(0, 0)
    jload(1, 1)
    row_start(0, 0)

    def outer(cc2, carry):
        for s in (0, 1):
            c = cc2 * 2 + s
            row_wait(c, s)

            @pl.when(c + 1 < NCHUNK)
            def _():
                row_start(c + 1, 1 - s)
            jwait(s)
            pltpu.sync_copy(bufs[s], acc_sh.at[dring.at[s, 0]], add=True)

            @pl.when(c + 2 < NCHUNK)
            def _():
                jload(c + 2, s)
        return carry

    lax.fori_loop(0, NCHUNK // 2, outer, None)
    plsc.subcore_barrier()
    pltpu.sync_copy(
        acc_sh.at[pl.ds(sid * ROWS_PER_TILE, ROWS_PER_TILE)],
        out_hbm.at[cid, pl.ds(sid * ROWS_PER_TILE, ROWS_PER_TILE)],
    )


_BR = 2528


def _tc_dense_body(g0_ref, g1_ref, e0_ref, e1_ref, wn_ref, we_ref, out_ref):
    g = g0_ref[...] + g1_ref[...]
    e = e0_ref[...] + e1_ref[...]
    agg = lax.dot_general(g, wn_ref[...], (((1,), (0,)), ((), ())),
                          preferred_element_type=jnp.float32)
    agg += lax.dot_general(e, we_ref[...], (((1,), (0,)), ((), ())),
                           preferred_element_type=jnp.float32)
    agg = jnp.maximum(agg, 0.0)
    i = jax.nn.sigmoid(agg[:, :H])
    ct = jnp.tanh(agg[:, H:2 * H])
    o = jax.nn.sigmoid(agg[:, 2 * H:])
    out_ref[...] = (o * jnp.tanh(i * ct)).astype(out_ref.dtype)


def _tc_dense(g0, g1, e0, e1, wn3, we3p, out_dtype):
    return pl.pallas_call(
        _tc_dense_body,
        grid=(ACC_ROWS // _BR,),
        in_specs=[
            pl.BlockSpec((_BR, D), lambda i: (i, 0)),
            pl.BlockSpec((_BR, D), lambda i: (i, 0)),
            pl.BlockSpec((_BR, WEP), lambda i: (i, 0)),
            pl.BlockSpec((_BR, WEP), lambda i: (i, 0)),
            pl.BlockSpec((D, G3), lambda i: (0, 0)),
            pl.BlockSpec((WEP, G3), lambda i: (0, 0)),
        ],
        out_specs=pl.BlockSpec((_BR, D), lambda i: (i, 0)),
        out_shape=jax.ShapeDtypeStruct((ACC_ROWS, D), out_dtype),
    )(g0, g1, e0, e1, wn3, we3p)


_GATES = (0, 2, 3)


def kernel(x, edge_index, edge_attr, Wn, bn, We, be):
    src = edge_index[0]
    dst = edge_index[1]
    pad = E_PAD - E
    srcp = jnp.concatenate([src, jnp.zeros((pad,), jnp.int32)])
    dstp = jnp.concatenate([dst, jnp.full((pad,), N, jnp.int32)])
    src3 = srcp.reshape(NW, NCHUNK, CHUNK)
    dst3 = dstp.reshape(NW * NCHUNK, 1, CHUNK)
    payload = jnp.concatenate(
        [edge_attr,
         jnp.ones((E, 1), jnp.float32),
         jnp.zeros((E, WEP - DE - 1), jnp.float32)], axis=1)
    payload = jnp.concatenate(
        [payload, jnp.zeros((pad, WEP), jnp.float32)], axis=0)
    zeros_d = jnp.zeros((ROWS_PER_TILE, D), jnp.float32)
    zeros_e = jnp.zeros((ROWS_PER_TILE, WEP), jnp.float32)

    ea = _sc_edge_segsum(payload, dst3, zeros_e)

    def mk_w(l):
        wn3 = jnp.concatenate([Wn[l, g, :D, :] for g in _GATES], axis=1)
        wep = jnp.concatenate([We[l, g] for g in _GATES], axis=1)
        brow = jnp.concatenate([bn[l, g] + be[l, g] for g in _GATES])[None, :]
        we3p = jnp.concatenate(
            [wep, brow, jnp.zeros((WEP - DE - 1, G3), jnp.float32)], axis=0)
        return wn3, we3p

    cur = x
    for l in range(L):
        g = _sc_gather_segsum(cur, src3, dst3, zeros_d)
        wn3, we3p = mk_w(l)
        cur = _tc_dense(g[0], g[1], ea[0], ea[1], wn3, we3p, jnp.float32)
    return cur[:N]

# --- scband reference (transcript-rebuilt; emitter-appended) ---
"""Pipeline reference for scband-gnn-5866925326812 (READ-ONLY COPY).

The authoritative reference and input builder live on the scoring server;
editing this copy changes nothing except your own understanding.
"""

import jax, jax.numpy as jnp
import numpy as np

N = 10000
E = 320000
D = 128
DE = 16
H = 128
L = 2  # out_features is used as num_layers in the torch module
COMB = D + H  # combined dim (same for both layers since D == H)


def setup_inputs(seed: int = 0) -> dict:
    key = jax.random.key(seed)
    ks = jax.random.split(key, 8)
    x = jax.random.normal(ks[0], (N, D), dtype=jnp.float32)
    edge_index = jax.random.randint(ks[1], (2, E), 0, N, dtype=jnp.int32)
    edge_attr = jax.random.normal(ks[2], (E, DE), dtype=jnp.float32)
    # Learned params: L layers x 4 gates (i, f, c, o), each a CustomGraphLayer with
    # a node linear (COMB -> H) and an edge linear (DE -> H).
    Wn = jax.random.normal(ks[3], (L, 4, COMB, H), dtype=jnp.float32) * (1.0 / np.sqrt(COMB))
    bn = jnp.zeros((L, 4, H), dtype=jnp.float32)
    We = jax.random.normal(ks[4], (L, 4, DE, H), dtype=jnp.float32) * (1.0 / np.sqrt(DE))
    be = jnp.zeros((L, 4, H), dtype=jnp.float32)
    return {"x": x, "edge_index": edge_index, "edge_attr": edge_attr,
            "Wn": Wn, "bn": bn, "We": We, "be": be}


def reference(x, edge_index, edge_attr, Wn, bn, We, be):
    src = edge_index[0]
    dst = edge_index[1]
    n = x.shape[0]

    def gcn(combined, l, g):
        # CustomGraphLayer: message = Lin(combined)[src] + Lin(edge_attr); scatter-add to dst; ReLU
        node_out = combined @ Wn[l, g] + bn[l, g]
        msg = node_out[src] + edge_attr @ We[l, g] + be[l, g]
        agg = jax.ops.segment_sum(msg, dst, num_segments=n)
        return jax.nn.relu(agg)

    cur = x
    for l in range(L):
        h_prev = jnp.zeros((n, H), dtype=x.dtype)
        c_prev = jnp.zeros((n, H), dtype=x.dtype)
        combined = jnp.concatenate([cur, h_prev], axis=1)
        i = jax.nn.sigmoid(gcn(combined, l, 0))
        f = jax.nn.sigmoid(gcn(combined, l, 1))
        c = f * c_prev + i * jnp.tanh(gcn(combined, l, 2))
        o = jax.nn.sigmoid(gcn(combined, l, 3))
        h = o * jnp.tanh(c)
        cur = h
    return cur

if __name__ == "__main__":
    import jax
    _d = setup_inputs()
    print(jax.jit(kernel)(*tuple(_d.values())))

</pallas_src>

<mosaic_0001>
#map = affine_map<(d0, d1) -> (0, 0)>
#map1 = affine_map<(d0, d1) -> (0, 0, 0)>
module attributes {stable_mosaic.version = 14 : i64} {
  func.func @_sc_edge_segsum(%arg0: i32, %arg1: i32, %arg2: memref<327680x128xf32, #tpu.memory_space<hbm>>, %arg3: memref<2560x1x128xi32, #tpu.memory_space<hbm>>, %arg4: memref<632x128xf32, #tpu.memory_space<hbm>>, %arg5: memref<2x10112x128xf32, #tpu.memory_space<hbm>>, %arg6: memref<2x1x128xi32, #tpu.memory_space<vmem>>, %arg7: memref<10112x128xf32, #tpu.memory_space<vmem_shared>>, %arg8: memref<128x128xf32, #tpu.memory_space<vmem>>, %arg9: memref<128x128xf32, #tpu.memory_space<vmem>>, %arg10: memref<!tpu.dma_semaphore, #tpu.memory_space<semaphore_mem>>, %arg11: memref<!tpu.dma_semaphore, #tpu.memory_space<semaphore_mem>>, %arg12: memref<!tpu.dma_semaphore, #tpu.memory_space<semaphore_mem>>, %arg13: memref<!tpu.dma_semaphore, #tpu.memory_space<semaphore_mem>>) attributes {dimension_semantics = [#tpu.dimension_semantics<core_parallel>, #tpu.dimension_semantics<subcore_parallel>], iteration_bounds = array<i64: 2, 16>, scalar_prefetch = 0 : i64, scratch_operands = 8 : i64, tpu.core_type = #tpu.core_type<sc_vector_subcore>, window_params = [{transform_indices = #map}, {transform_indices = #map1}, {transform_indices = #map}, {transform_indices = #map1}]} {
    %mul3A = arith.constant 16 : i32
    %mul3A_0 = arith.muli %arg0, %mul3A : i32
    %add3A = arith.addi %mul3A_0, %arg1 : i32
    %mul3A_1 = arith.constant 632 : i32
    %mul3A_2 = arith.muli %arg1, %mul3A_1 : i32
    "tpu.region"() ({
      %run_scoped3A = tpu.sem_alloc : memref<!tpu.dma_semaphore, #tpu.memory_space<semaphore_mem>>
      %dma_start3A_61 = arith.constant 0 : i32
      %dma_start3A_62 = tpu.memref_slice %arg7[%mul3A_2, %dma_start3A_61] : memref<10112x128xf32, #tpu.memory_space<vmem_shared>> -> memref<632x128xf32, #tpu.memory_space<vmem_shared>>
      tpu.enqueue_dma source(%arg4 : memref<632x128xf32, #tpu.memory_space<hbm>>) target(%dma_start3A_62 : memref<632x128xf32, #tpu.memory_space<vmem_shared>>) target_semaphore(%run_scoped3A : memref<!tpu.dma_semaphore, #tpu.memory_space<semaphore_mem>>)
      %dma_wait3A = arith.constant 0 : i32
      %dma_wait3A_63 = tpu.memref_slice %arg7[%mul3A_2, %dma_wait3A] : memref<10112x128xf32, #tpu.memory_space<vmem_shared>> -> memref<632x128xf32, #tpu.memory_space<vmem_shared>>
      tpu.wait_dma2 semaphore(%run_scoped3A : memref<!tpu.dma_semaphore, #tpu.memory_space<semaphore_mem>>) src(%arg4 : memref<632x128xf32, #tpu.memory_space<hbm>>) dst(%dma_wait3A_63 : memref<632x128xf32, #tpu.memory_space<vmem_shared>>)
      tpu.yield
    }) : () -> ()
    %barrier3A = arith.constant 0 : index
    tpu.barrier barrier_id(%barrier3A)
    %mul3A_3 = arith.constant 80 : i32
    %mul3A_4 = arith.muli %add3A, %mul3A_3 : i32
    %add3A_5 = arith.constant 0 : i32
    %add3A_6 = arith.addi %mul3A_4, %add3A_5 : i32
    %dma_start3A = arith.constant 0 : i32
    %dma_start3A_7 = arith.constant 0 : i32
    %dma_start3A_8 = arith.constant 0 : i32
    %dma_start3A_9 = tpu.memref_slice %arg6[%dma_start3A, %dma_start3A_7, %dma_start3A_8] : memref<2x1x128xi32, #tpu.memory_space<vmem>> -> memref<1x1x128xi32, #tpu.memory_space<vmem>>
    %dma_start3A_10 = tpu.memref_squeeze %dma_start3A_9 : memref<1x1x128xi32, #tpu.memory_space<vmem>> -> memref<1x128xi32, #tpu.memory_space<vmem>>
    %dma_start3A_11 = arith.constant 0 : i32
    %dma_start3A_12 = arith.constant 0 : i32
    %dma_start3A_13 = tpu.memref_slice %arg3[%add3A_6, %dma_start3A_11, %dma_start3A_12] : memref<2560x1x128xi32, #tpu.memory_space<hbm>> -> memref<1x1x128xi32, #tpu.memory_space<hbm>>
    %dma_start3A_14 = tpu.memref_squeeze %dma_start3A_13 : memref<1x1x128xi32, #tpu.memory_space<hbm>> -> memref<1x128xi32, #tpu.memory_space<hbm>>
    %dma_start3A_15 = arith.constant 0 : i32
    %dma_start3A_16 = arith.constant 0 : i32
    %dma_start3A_17 = tpu.memref_slice %arg6[%dma_start3A, %dma_start3A_15, %dma_start3A_16] : memref<2x1x128xi32, #tpu.memory_space<vmem>> -> memref<1x1x128xi32, #tpu.memory_space<vmem>>
    %dma_start3A_18 = tpu.memref_squeeze %dma_start3A_17 : memref<1x1x128xi32, #tpu.memory_space<vmem>> -> memref<1x128xi32, #tpu.memory_space<vmem>>
    %dma_start3A_19 = arith.constant 0 : i32
    %dma_start3A_20 = arith.constant 0 : i32
    %dma_start3A_21 = tpu.memref_slice %arg3[%add3A_6, %dma_start3A_19, %dma_start3A_20] : memref<2560x1x128xi32, #tpu.memory_space<hbm>> -> memref<1x1x128xi32, #tpu.memory_space<hbm>>
    %dma_start3A_22 = tpu.memref_squeeze %dma_start3A_21 : memref<1x1x128xi32, #tpu.memory_space<hbm>> -> memref<1x128xi32, #tpu.memory_space<hbm>>
    tpu.enqueue_dma source(%dma_start3A_22 : memref<1x128xi32, #tpu.memory_space<hbm>>) target(%dma_start3A_18 : memref<1x128xi32, #tpu.memory_space<vmem>>) target_semaphore(%arg12 : memref<!tpu.dma_semaphore, #tpu.memory_space<semaphore_mem>>)
    %mul3A_23 = arith.constant 80 : i32
    %mul3A_24 = arith.muli %add3A, %mul3A_23 : i32
    %add3A_25 = arith.constant 1 : i32
    %add3A_26 = arith.addi %mul3A_24, %add3A_25 : i32
    %dma_start3A_27 = arith.constant 1 : i32
    %dma_start3A_28 = arith.constant 0 : i32
    %dma_start3A_29 = arith.constant 0 : i32
    %dma_start3A_30 = tpu.memref_slice %arg6[%dma_start3A_27, %dma_start3A_28, %dma_start3A_29] : memref<2x1x128xi32, #tpu.memory_space<vmem>> -> memref<1x1x128xi32, #tpu.memory_space<vmem>>
    %dma_start3A_31 = tpu.memref_squeeze %dma_start3A_30 : memref<1x1x128xi32, #tpu.memory_space<vmem>> -> memref<1x128xi32, #tpu.memory_space<vmem>>
    %dma_start3A_32 = arith.constant 0 : i32
    %dma_start3A_33 = arith.constant 0 : i32
    %dma_start3A_34 = tpu.memref_slice %arg3[%add3A_26, %dma_start3A_32, %dma_start3A_33] : memref<2560x1x128xi32, #tpu.memory_space<hbm>> -> memref<1x1x128xi32, #tpu.memory_space<hbm>>
    %dma_start3A_35 = tpu.memref_squeeze %dma_start3A_34 : memref<1x1x128xi32, #tpu.memory_space<hbm>> -> memref<1x128xi32, #tpu.memory_space<hbm>>
    %dma_start3A_36 = arith.constant 0 : i32
    %dma_start3A_37 = arith.constant 0 : i32
    %dma_start3A_38 = tpu.memref_slice %arg6[%dma_start3A_27, %dma_start3A_36, %dma_start3A_37] : memref<2x1x128xi32, #tpu.memory_space<vmem>> -> memref<1x1x128xi32, #tpu.memory_space<vmem>>
    %dma_start3A_39 = tpu.memref_squeeze %dma_start3A_38 : memref<1x1x128xi32, #tpu.memory_space<vmem>> -> memref<1x128xi32, #tpu.memory_space<vmem>>
    %dma_start3A_40 = arith.constant 0 : i32
    %dma_start3A_41 = arith.constant 0 : i32
    %dma_start3A_42 = tpu.memref_slice %arg3[%add3A_26, %dma_start3A_40, %dma_start3A_41] : memref<2560x1x128xi32, #tpu.memory_space<hbm>> -> memref<1x1x128xi32, #tpu.memory_space<hbm>>
    %dma_start3A_43 = tpu.memref_squeeze %dma_start3A_42 : memref<1x1x128xi32, #tpu.memory_space<hbm>> -> memref<1x128xi32, #tpu.memory_space<hbm>>
    tpu.enqueue_dma source(%dma_start3A_43 : memref<1x128xi32, #tpu.memory_space<hbm>>) target(%dma_start3A_39 : memref<1x128xi32, #tpu.memory_space<vmem>>) target_semaphore(%arg13 : memref<!tpu.dma_semaphore, #tpu.memory_space<semaphore_mem>>)
    %mul3A_44 = arith.constant 10240 : i32
    %mul3A_45 = arith.muli %add3A, %mul3A_44 : i32
    %add3A_46 = arith.constant 0 : i32
    %add3A_47 = arith.addi %mul3A_45, %add3A_46 : i32
    %dma_start3A_48 = arith.constant 0 : i32
    %dma_start3A_49 = tpu.memref_slice %arg2[%add3A_47, %dma_start3A_48] : memref<327680x128xf32, #tpu.memory_space<hbm>> -> memref<128x128xf32, #tpu.memory_space<hbm>>
    %dma_start3A_50 = arith.constant 0 : i32
    %dma_start3A_51 = tpu.memref_slice %arg2[%add3A_47, %dma_start3A_50] : memref<327680x128xf32, #tpu.memory_space<hbm>> -> memref<128x128xf32, #tpu.memory_space<hbm>>
    tpu.enqueue_dma source(%dma_start3A_51 : memref<128x128xf32, #tpu.memory_space<hbm>>) target(%arg8 : memref<128x128xf32, #tpu.memory_space<vmem>>) target_semaphore(%arg10 : memref<!tpu.dma_semaphore, #tpu.memory_space<semaphore_mem>>)
    %scan3A = arith.constant 0 : i32
    %scan3A_52 = arith.constant 40 : i32
    %scan3A_53 = arith.addi %scan3A, %scan3A_52 : i32
    %scan3A_54 = arith.constant 1 : i32
    scf.for %scan3A_61 = %scan3A to %scan3A_53 step %scan3A_54  : i32 {
      %mul3A_62 = arith.constant 2 : i32
      %mul3A_63 = arith.muli %scan3A_61, %mul3A_62 : i32
      %add3A_64 = arith.constant 0 : i32
      %add3A_65 = arith.addi %mul3A_63, %add3A_64 : i32
      %dma_wait3A = arith.constant 0 : i32
      %dma_wait3A_66 = arith.constant 0 : i32
      %dma_wait3A_67 = tpu.memref_slice %arg2[%dma_wait3A, %dma_wait3A_66] : memref<327680x128xf32, #tpu.memory_space<hbm>> -> memref<128x128xf32, #tpu.memory_space<hbm>>
      %dma_wait3A_68 = arith.constant 0 : i32
      %dma_wait3A_69 = arith.constant 0 : i32
      %dma_wait3A_70 = tpu.memref_slice %arg2[%dma_wait3A_68, %dma_wait3A_69] : memref<327680x128xf32, #tpu.memory_space<hbm>> -> memref<128x128xf32, #tpu.memory_space<hbm>>
      tpu.wait_dma2 semaphore(%arg10 : memref<!tpu.dma_semaphore, #tpu.memory_space<semaphore_mem>>) src(%dma_wait3A_70 : memref<128x128xf32, #tpu.memory_space<hbm>>) dst(%arg8 : memref<128x128xf32, #tpu.memory_space<vmem>>)
      %add3A_71 = arith.constant 1 : i32
      %add3A_72 = arith.addi %add3A_65, %add3A_71 : i32
      %lt3A = arith.constant 80 : i32
      %lt3A_73 = arith.cmpi slt, %add3A_72, %lt3A : i32
      %convert_element_type3A = arith.extui %lt3A_73 : i1 to i32
      %cond3A = arith.constant 0 : i32
      %cond3A_74 = arith.cmpi ne, %convert_element_type3A, %cond3A : i32
      scf.if %cond3A_74 {
        %add3A_145 = arith.constant 1 : i32
        %add3A_146 = arith.addi %add3A_65, %add3A_145 : i32
        %mul3A_147 = arith.constant 10240 : i32
        %mul3A_148 = arith.muli %add3A, %mul3A_147 : i32
        %mul3A_149 = arith.constant 128 : i32
        %mul3A_150 = arith.muli %add3A_146, %mul3A_149 : i32
        %add3A_151 = arith.addi %mul3A_148, %mul3A_150 : i32
        %dma_start3A_152 = arith.constant 0 : i32
        %dma_start3A_153 = tpu.memref_slice %arg2[%add3A_151, %dma_start3A_152] : memref<327680x128xf32, #tpu.memory_space<hbm>> -> memref<128x128xf32, #tpu.memory_space<hbm>>
        %dma_start3A_154 = arith.constant 0 : i32
        %dma_start3A_155 = tpu.memref_slice %arg2[%add3A_151, %dma_start3A_154] : memref<327680x128xf32, #tpu.memory_space<hbm>> -> memref<128x128xf32, #tpu.memory_space<hbm>>
        tpu.enqueue_dma source(%dma_start3A_155 : memref<128x128xf32, #tpu.memory_space<hbm>>) target(%arg9 : memref<128x128xf32, #tpu.memory_space<vmem>>) target_semaphore(%arg11 : memref<!tpu.dma_semaphore, #tpu.memory_space<semaphore_mem>>)
      } else {
      }
      %dma_wait3A_75 = arith.constant 0 : i32
      %dma_wait3A_76 = arith.constant 0 : i32
      %dma_wait3A_77 = arith.constant 0 : i32
      %dma_wait3A_78 = arith.constant 0 : i32
      %dma_wait3A_79 = tpu.memref_slice %arg6[%dma_wait3A_76, %dma_wait3A_77, %dma_wait3A_78] : memref<2x1x128xi32, #tpu.memory_space<vmem>> -> memref<1x1x128xi32, #tpu.memory_space<vmem>>
      %dma_wait3A_80 = tpu.memref_squeeze %dma_wait3A_79 : memref<1x1x128xi32, #tpu.memory_space<vmem>> -> memref<1x128xi32, #tpu.memory_space<vmem>>
      %dma_wait3A_81 = arith.constant 0 : i32
      %dma_wait3A_82 = arith.constant 0 : i32
      %dma_wait3A_83 = tpu.memref_slice %arg3[%dma_wait3A_75, %dma_wait3A_81, %dma_wait3A_82] : memref<2560x1x128xi32, #tpu.memory_space<hbm>> -> memref<1x1x128xi32, #tpu.memory_space<hbm>>
      %dma_wait3A_84 = tpu.memref_squeeze %dma_wait3A_83 : memref<1x1x128xi32, #tpu.memory_space<hbm>> -> memref<1x128xi32, #tpu.memory_space<hbm>>
      %dma_wait3A_85 = arith.constant 0 : i32
      %dma_wait3A_86 = arith.constant 0 : i32
      %dma_wait3A_87 = tpu.memref_slice %arg6[%dma_wait3A_76, %dma_wait3A_85, %dma_wait3A_86] : memref<2x1x128xi32, #tpu.memory_space<vmem>> -> memref<1x1x128xi32, #tpu.memory_space<vmem>>
      %dma_wait3A_88 = tpu.memref_squeeze %dma_wait3A_87 : memref<1x1x128xi32, #tpu.memory_space<vmem>> -> memref<1x128xi32, #tpu.memory_space<vmem>>
      %dma_wait3A_89 = arith.constant 0 : i32
      %dma_wait3A_90 = arith.constant 0 : i32
      %dma_wait3A_91 = tpu.memref_slice %arg3[%dma_wait3A_75, %dma_wait3A_89, %dma_wait3A_90] : memref<2560x1x128xi32, #tpu.memory_space<hbm>> -> memref<1x1x128xi32, #tpu.memory_space<hbm>>
      %dma_wait3A_92 = tpu.memref_squeeze %dma_wait3A_91 : memref<1x1x128xi32, #tpu.memory_space<hbm>> -> memref<1x128xi32, #tpu.memory_space<hbm>>
      tpu.wait_dma2 semaphore(%arg12 : memref<!tpu.dma_semaphore, #tpu.memory_space<semaphore_mem>>) src(%dma_wait3A_92 : memref<1x128xi32, #tpu.memory_space<hbm>>) dst(%dma_wait3A_88 : memref<1x128xi32, #tpu.memory_space<vmem>>)
      %run_scoped3A = arith.constant 0 : i32
      %run_scoped3A_93 = arith.constant 0 : i32
      "tpu.region"() ({
        %run_scoped3A_145 = tpu.sem_alloc : memref<!tpu.dma_semaphore, #tpu.memory_space<semaphore_mem>>
        %dma_start3A_146 = arith.constant 0 : i32
        %dma_start3A_147 = tpu.memref_slice %arg6[%run_scoped3A, %run_scoped3A_93, %dma_start3A_146] : memref<2x1x128xi32, #tpu.memory_space<vmem>> -> memref<1x1x128xi32, #tpu.memory_space<vmem>>
        %dma_start3A_148 = tpu.memref_squeeze %dma_start3A_147 : memref<1x1x128xi32, #tpu.memory_space<vmem>> -> memref<128xi32, #tpu.memory_space<vmem>>
        %dma_start3A_149 = arith.constant 0 : i32
        %dma_start3A_150 = arith.constant 0 : i32
        %dma_start3A_151 = tpu.memref_slice %arg7[%dma_start3A_149, %dma_start3A_150] : memref<10112x128xf32, #tpu.memory_space<vmem_shared>> -> memref<10112x128xf32, #tpu.memory_space<vmem_shared>>
        tpu.enqueue_indirect_dma source(%arg8 : memref<128x128xf32, #tpu.memory_space<vmem>>) target(%dma_start3A_151 : memref<10112x128xf32, #tpu.memory_space<vmem_shared>>) offsets(%dma_start3A_148 : memref<128xi32, #tpu.memory_space<vmem>>) semaphore(%run_scoped3A_145 : memref<!tpu.dma_semaphore, #tpu.memory_space<semaphore_mem>>) {add = true}
        %dma_wait3A_152 = arith.constant 0 : i32
        %dma_wait3A_153 = tpu.memref_slice %arg6[%run_scoped3A, %run_scoped3A_93, %dma_wait3A_152] : memref<2x1x128xi32, #tpu.memory_space<vmem>> -> memref<1x1x128xi32, #tpu.memory_space<vmem>>
        %dma_wait3A_154 = tpu.memref_squeeze %dma_wait3A_153 : memref<1x1x128xi32, #tpu.memory_space<vmem>> -> memref<128xi32, #tpu.memory_space<vmem>>
        %dma_wait3A_155 = arith.constant 0 : i32
        %dma_wait3A_156 = arith.constant 0 : i32
        %dma_wait3A_157 = tpu.memref_slice %arg7[%dma_wait3A_155, %dma_wait3A_156] : memref<10112x128xf32, #tpu.memory_space<vmem_shared>> -> memref<10112x128xf32, #tpu.memory_space<vmem_shared>>
        tpu.wait_indirect_dma semaphore(%run_scoped3A_145 : memref<!tpu.dma_semaphore, #tpu.memory_space<semaphore_mem>>) src(%arg8 : memref<128x128xf32, #tpu.memory_space<vmem>>) dst(%dma_wait3A_157 : memref<10112x128xf32, #tpu.memory_space<vmem_shared>>)
        tpu.yield
      }) : () -> ()
      %add3A_94 = arith.constant 2 : i32
      %add3A_95 = arith.addi %add3A_65, %add3A_94 : i32
      %lt3A_96 = arith.constant 80 : i32
      %lt3A_97 = arith.cmpi slt, %add3A_95, %lt3A_96 : i32
      %convert_element_type3A_98 = arith.extui %lt3A_97 : i1 to i32
      %cond3A_99 = arith.constant 0 : i32
      %cond3A_100 = arith.cmpi ne, %convert_element_type3A_98, %cond3A_99 : i32
      scf.if %cond3A_100 {
        %add3A_145 = arith.constant 2 : i32
        %add3A_146 = arith.addi %add3A_65, %add3A_145 : i32
        %mul3A_147 = arith.constant 80 : i32
        %mul3A_148 = arith.muli %add3A, %mul3A_147 : i32
        %add3A_149 = arith.addi %mul3A_148, %add3A_146 : i32
        %dma_start3A_150 = arith.constant 0 : i32
        %dma_start3A_151 = arith.constant 0 : i32
        %dma_start3A_152 = arith.constant 0 : i32
        %dma_start3A_153 = tpu.memref_slice %arg6[%dma_start3A_150, %dma_start3A_151, %dma_start3A_152] : memref<2x1x128xi32, #tpu.memory_space<vmem>> -> memref<1x1x128xi32, #tpu.memory_space<vmem>>
        %dma_start3A_154 = tpu.memref_squeeze %dma_start3A_153 : memref<1x1x128xi32, #tpu.memory_space<vmem>> -> memref<1x128xi32, #tpu.memory_space<vmem>>
        %dma_start3A_155 = arith.constant 0 : i32
        %dma_start3A_156 = arith.constant 0 : i32
        %dma_start3A_157 = tpu.memref_slice %arg3[%add3A_149, %dma_start3A_155, %dma_start3A_156] : memref<2560x1x128xi32, #tpu.memory_space<hbm>> -> memref<1x1x128xi32, #tpu.memory_space<hbm>>
        %dma_start3A_158 = tpu.memref_squeeze %dma_start3A_157 : memref<1x1x128xi32, #tpu.memory_space<hbm>> -> memref<1x128xi32, #tpu.memory_space<hbm>>
        %dma_start3A_159 = arith.constant 0 : i32
        %dma_start3A_160 = arith.constant 0 : i32
        %dma_start3A_161 = tpu.memref_slice %arg6[%dma_start3A_150, %dma_start3A_159, %dma_start3A_160] : memref<2x1x128xi32, #tpu.memory_space<vmem>> -> memref<1x1x128xi32, #tpu.memory_space<vmem>>
        %dma_start3A_162 = tpu.memref_squeeze %dma_start3A_161 : memref<1x1x128xi32, #tpu.memory_space<vmem>> -> memref<1x128xi32, #tpu.memory_space<vmem>>
        %dma_start3A_163 = arith.constant 0 : i32
        %dma_start3A_164 = arith.constant 0 : i32
        %dma_start3A_165 = tpu.memref_slice %arg3[%add3A_149, %dma_start3A_163, %dma_start3A_164] : memref<2560x1x128xi32, #tpu.memory_space<hbm>> -> memref<1x1x128xi32, #tpu.memory_space<hbm>>
        %dma_start3A_166 = tpu.memref_squeeze %dma_start3A_165 : memref<1x1x128xi32, #tpu.memory_space<hbm>> -> memref<1x128xi32, #tpu.memory_space<hbm>>
        tpu.enqueue_dma source(%dma_start3A_166 : memref<1x128xi32, #tpu.memory_space<hbm>>) target(%dma_start3A_162 : memref<1x128xi32, #tpu.memory_space<vmem>>) target_semaphore(%arg12 : memref<!tpu.dma_semaphore, #tpu.memory_space<semaphore_mem>>)
      } else {
      }
      %mul3A_101 = arith.constant 2 : i32
      %mul3A_102 = arith.muli %scan3A_61, %mul3A_101 : i32
      %add3A_103 = arith.constant 1 : i32
      %add3A_104 = arith.addi %mul3A_102, %add3A_103 : i32
      %dma_wait3A_105 = arith.constant 0 : i32
      %dma_wait3A_106 = arith.constant 0 : i32
      %dma_wait3A_107 = tpu.memref_slice %arg2[%dma_wait3A_105, %dma_wait3A_106] : memref<327680x128xf32, #tpu.memory_space<hbm>> -> memref<128x128xf32, #tpu.memory_space<hbm>>
      %dma_wait3A_108 = arith.constant 0 : i32
      %dma_wait3A_109 = arith.constant 0 : i32
      %dma_wait3A_110 = tpu.memref_slice %arg2[%dma_wait3A_108, %dma_wait3A_109] : memref<327680x128xf32, #tpu.memory_space<hbm>> -> memref<128x128xf32, #tpu.memory_space<hbm>>
      tpu.wait_dma2 semaphore(%arg11 : memref<!tpu.dma_semaphore, #tpu.memory_space<semaphore_mem>>) src(%dma_wait3A_110 : memref<128x128xf32, #tpu.memory_space<hbm>>) dst(%arg9 : memref<128x128xf32, #tpu.memory_space<vmem>>)
      %add3A_111 = arith.constant 1 : i32
      %add3A_112 = arith.addi %add3A_104, %add3A_111 : i32
      %lt3A_113 = arith.constant 80 : i32
      %lt3A_114 = arith.cmpi slt, %add3A_112, %lt3A_113 : i32
      %convert_element_type3A_115 = arith.extui %lt3A_114 : i1 to i32
      %cond3A_116 = arith.constant 0 : i32
      %cond3A_117 = arith.cmpi ne, %convert_element_type3A_115, %cond3A_116 : i32
      scf.if %cond3A_117 {
        %add3A_145 = arith.constant 1 : i32
        %add3A_146 = arith.addi %add3A_104, %add3A_145 : i32
        %mul3A_147 = arith.constant 10240 : i32
        %mul3A_148 = arith.muli %add3A, %mul3A_147 : i32
        %mul3A_149 = arith.constant 128 : i32
        %mul3A_150 = arith.muli %add3A_146, %mul3A_149 : i32
        %add3A_151 = arith.addi %mul3A_148, %mul3A_150 : i32
        %dma_start3A_152 = arith.constant 0 : i32
        %dma_start3A_153 = tpu.memref_slice %arg2[%add3A_151, %dma_start3A_152] : memref<327680x128xf32, #tpu.memory_space<hbm>> -> memref<128x128xf32, #tpu.memory_space<hbm>>
        %dma_start3A_154 = arith.constant 0 : i32
        %dma_start3A_155 = tpu.memref_slice %arg2[%add3A_151, %dma_start3A_154] : memref<327680x128xf32, #tpu.memory_space<hbm>> -> memref<128x128xf32, #tpu.memory_space<hbm>>
        tpu.enqueue_dma source(%dma_start3A_155 : memref<128x128xf32, #tpu.memory_space<hbm>>) target(%arg8 : memref<128x128xf32, #tpu.memory_space<vmem>>) target_semaphore(%arg10 : memref<!tpu.dma_semaphore, #tpu.memory_space<semaphore_mem>>)
      } else {
      }
      %dma_wait3A_118 = arith.constant 0 : i32
      %dma_wait3A_119 = arith.constant 1 : i32
      %dma_wait3A_120 = arith.constant 0 : i32
      %dma_wait3A_121 = arith.constant 0 : i32
      %dma_wait3A_122 = tpu.memref_slice %arg6[%dma_wait3A_119, %dma_wait3A_120, %dma_wait3A_121] : memref<2x1x128xi32, #tpu.memory_space<vmem>> -> memref<1x1x128xi32, #tpu.memory_space<vmem>>
      %dma_wait3A_123 = tpu.memref_squeeze %dma_wait3A_122 : memref<1x1x128xi32, #tpu.memory_space<vmem>> -> memref<1x128xi32, #tpu.memory_space<vmem>>
      %dma_wait3A_124 = arith.constant 0 : i32
      %dma_wait3A_125 = arith.constant 0 : i32
      %dma_wait3A_126 = tpu.memref_slice %arg3[%dma_wait3A_118, %dma_wait3A_124, %dma_wait3A_125] : memref<2560x1x128xi32, #tpu.memory_space<hbm>> -> memref<1x1x128xi32, #tpu.memory_space<hbm>>
      %dma_wait3A_127 = tpu.memref_squeeze %dma_wait3A_126 : memref<1x1x128xi32, #tpu.memory_space<hbm>> -> memref<1x128xi32, #tpu.memory_space<hbm>>
      %dma_wait3A_128 = arith.constant 0 : i32
      %dma_wait3A_129 = arith.constant 0 : i32
      %dma_wait3A_130 = tpu.memref_slice %arg6[%dma_wait3A_119, %dma_wait3A_128, %dma_wait3A_129] : memref<2x1x128xi32, #tpu.memory_space<vmem>> -> memref<1x1x128xi32, #tpu.memory_space<vmem>>
      %dma_wait3A_131 = tpu.memref_squeeze %dma_wait3A_130 : memref<1x1x128xi32, #tpu.memory_space<vmem>> -> memref<1x128xi32, #tpu.memory_space<vmem>>
      %dma_wait3A_132 = arith.constant 0 : i32
      %dma_wait3A_133 = arith.constant 0 : i32
      %dma_wait3A_134 = tpu.memref_slice %arg3[%dma_wait3A_118, %dma_wait3A_132, %dma_wait3A_133] : memref<2560x1x128xi32, #tpu.memory_space<hbm>> -> memref<1x1x128xi32, #tpu.memory_space<hbm>>
      %dma_wait3A_135 = tpu.memref_squeeze %dma_wait3A_134 : memref<1x1x128xi32, #tpu.memory_space<hbm>> -> memref<1x128xi32, #tpu.memory_space<hbm>>
      tpu.wait_dma2 semaphore(%arg13 : memref<!tpu.dma_semaphore, #tpu.memory_space<semaphore_mem>>) src(%dma_wait3A_135 : memref<1x128xi32, #tpu.memory_space<hbm>>) dst(%dma_wait3A_131 : memref<1x128xi32, #tpu.memory_space<vmem>>)
      %run_scoped3A_136 = arith.constant 1 : i32
      %run_scoped3A_137 = arith.constant 0 : i32
      "tpu.region"() ({
        %run_scoped3A_145 = tpu.sem_alloc : memref<!tpu.dma_semaphore, #tpu.memory_space<semaphore_mem>>
        %dma_start3A_146 = arith.constant 0 : i32
        %dma_start3A_147 = tpu.memref_slice %arg6[%run_scoped3A_136, %run_scoped3A_137, %dma_start3A_146] : memref<2x1x128xi32, #tpu.memory_space<vmem>> -> memref<1x1x128xi32, #tpu.memory_space<vmem>>
        %dma_start3A_148 = tpu.memref_squeeze %dma_start3A_147 : memref<1x1x128xi32, #tpu.memory_space<vmem>> -> memref<128xi32, #tpu.memory_space<vmem>>
        %dma_start3A_149 = arith.constant 0 : i32
        %dma_start3A_150 = arith.constant 0 : i32
        %dma_start3A_151 = tpu.memref_slice %arg7[%dma_start3A_149, %dma_start3A_150] : memref<10112x128xf32, #tpu.memory_space<vmem_shared>> -> memref<10112x128xf32, #tpu.memory_space<vmem_shared>>
        tpu.enqueue_indirect_dma source(%arg9 : memref<128x128xf32, #tpu.memory_space<vmem>>) target(%dma_start3A_151 : memref<10112x128xf32, #tpu.memory_space<vmem_shared>>) offsets(%dma_start3A_148 : memref<128xi32, #tpu.memory_space<vmem>>) semaphore(%run_scoped3A_145 : memref<!tpu.dma_semaphore, #tpu.memory_space<semaphore_mem>>) {add = true}
        %dma_wait3A_152 = arith.constant 0 : i32
        %dma_wait3A_153 = tpu.memref_slice %arg6[%run_scoped3A_136, %run_scoped3A_137, %dma_wait3A_152] : memref<2x1x128xi32, #tpu.memory_space<vmem>> -> memref<1x1x128xi32, #tpu.memory_space<vmem>>
        %dma_wait3A_154 = tpu.memref_squeeze %dma_wait3A_153 : memref<1x1x128xi32, #tpu.memory_space<vmem>> -> memref<128xi32, #tpu.memory_space<vmem>>
        %dma_wait3A_155 = arith.constant 0 : i32
        %dma_wait3A_156 = arith.constant 0 : i32
        %dma_wait3A_157 = tpu.memref_slice %arg7[%dma_wait3A_155, %dma_wait3A_156] : memref<10112x128xf32, #tpu.memory_space<vmem_shared>> -> memref<10112x128xf32, #tpu.memory_space<vmem_shared>>
        tpu.wait_indirect_dma semaphore(%run_scoped3A_145 : memref<!tpu.dma_semaphore, #tpu.memory_space<semaphore_mem>>) src(%arg9 : memref<128x128xf32, #tpu.memory_space<vmem>>) dst(%dma_wait3A_157 : memref<10112x128xf32, #tpu.memory_space<vmem_shared>>)
        tpu.yield
      }) : () -> ()
      %add3A_138 = arith.constant 2 : i32
      %add3A_139 = arith.addi %add3A_104, %add3A_138 : i32
      %lt3A_140 = arith.constant 80 : i32
      %lt3A_141 = arith.cmpi slt, %add3A_139, %lt3A_140 : i32
      %convert_element_type3A_142 = arith.extui %lt3A_141 : i1 to i32
      %cond3A_143 = arith.constant 0 : i32
      %cond3A_144 = arith.cmpi ne, %convert_element_type3A_142, %cond3A_143 : i32
      scf.if %cond3A_144 {
        %add3A_145 = arith.constant 2 : i32
        %add3A_146 = arith.addi %add3A_104, %add3A_145 : i32
        %mul3A_147 = arith.constant 80 : i32
        %mul3A_148 = arith.muli %add3A, %mul3A_147 : i32
        %add3A_149 = arith.addi %mul3A_148, %add3A_146 : i32
        %dma_start3A_150 = arith.constant 1 : i32
        %dma_start3A_151 = arith.constant 0 : i32
        %dma_start3A_152 = arith.constant 0 : i32
        %dma_start3A_153 = tpu.memref_slice %arg6[%dma_start3A_150, %dma_start3A_151, %dma_start3A_152] : memref<2x1x128xi32, #tpu.memory_space<vmem>> -> memref<1x1x128xi32, #tpu.memory_space<vmem>>
        %dma_start3A_154 = tpu.memref_squeeze %dma_start3A_153 : memref<1x1x128xi32, #tpu.memory_space<vmem>> -> memref<1x128xi32, #tpu.memory_space<vmem>>
        %dma_start3A_155 = arith.constant 0 : i32
        %dma_start3A_156 = arith.constant 0 : i32
        %dma_start3A_157 = tpu.memref_slice %arg3[%add3A_149, %dma_start3A_155, %dma_start3A_156] : memref<2560x1x128xi32, #tpu.memory_space<hbm>> -> memref<1x1x128xi32, #tpu.memory_space<hbm>>
        %dma_start3A_158 = tpu.memref_squeeze %dma_start3A_157 : memref<1x1x128xi32, #tpu.memory_space<hbm>> -> memref<1x128xi32, #tpu.memory_space<hbm>>
        %dma_start3A_159 = arith.constant 0 : i32
        %dma_start3A_160 = arith.constant 0 : i32
        %dma_start3A_161 = tpu.memref_slice %arg6[%dma_start3A_150, %dma_start3A_159, %dma_start3A_160] : memref<2x1x128xi32, #tpu.memory_space<vmem>> -> memref<1x1x128xi32, #tpu.memory_space<vmem>>
        %dma_start3A_162 = tpu.memref_squeeze %dma_start3A_161 : memref<1x1x128xi32, #tpu.memory_space<vmem>> -> memref<1x128xi32, #tpu.memory_space<vmem>>
        %dma_start3A_163 = arith.constant 0 : i32
        %dma_start3A_164 = arith.constant 0 : i32
        %dma_start3A_165 = tpu.memref_slice %arg3[%add3A_149, %dma_start3A_163, %dma_start3A_164] : memref<2560x1x128xi32, #tpu.memory_space<hbm>> -> memref<1x1x128xi32, #tpu.memory_space<hbm>>
        %dma_start3A_166 = tpu.memref_squeeze %dma_start3A_165 : memref<1x1x128xi32, #tpu.memory_space<hbm>> -> memref<1x128xi32, #tpu.memory_space<hbm>>
        tpu.enqueue_dma source(%dma_start3A_166 : memref<1x128xi32, #tpu.memory_space<hbm>>) target(%dma_start3A_162 : memref<1x128xi32, #tpu.memory_space<vmem>>) target_semaphore(%arg13 : memref<!tpu.dma_semaphore, #tpu.memory_space<semaphore_mem>>)
      } else {
      }
    }
    %scan3A_55 = arith.constant 40 : i32
    %barrier3A_56 = arith.constant 0 : index
    tpu.barrier barrier_id(%barrier3A_56)
    %mul3A_57 = arith.constant 632 : i32
    %mul3A_58 = arith.muli %arg1, %mul3A_57 : i32
    %mul3A_59 = arith.constant 632 : i32
    %mul3A_60 = arith.muli %arg1, %mul3A_59 : i32
    "tpu.region"() ({
      %run_scoped3A = tpu.sem_alloc : memref<!tpu.dma_semaphore, #tpu.memory_space<semaphore_mem>>
      %dma_start3A_61 = arith.constant 0 : i32
      %dma_start3A_62 = tpu.memref_slice %arg5[%arg0, %mul3A_60, %dma_start3A_61] : memref<2x10112x128xf32, #tpu.memory_space<hbm>> -> memref<1x632x128xf32, #tpu.memory_space<hbm>>
      %dma_start3A_63 = tpu.memref_squeeze %dma_start3A_62 : memref<1x632x128xf32, #tpu.memory_space<hbm>> -> memref<632x128xf32, #tpu.memory_space<hbm>>
      %dma_start3A_64 = arith.constant 0 : i32
      %dma_start3A_65 = tpu.memref_slice %arg7[%mul3A_58, %dma_start3A_64] : memref<10112x128xf32, #tpu.memory_space<vmem_shared>> -> memref<632x128xf32, #tpu.memory_space<vmem_shared>>
      tpu.enqueue_dma source(%dma_start3A_65 : memref<632x128xf32, #tpu.memory_space<vmem_shared>>) target(%dma_start3A_63 : memref<632x128xf32, #tpu.memory_space<hbm>>) target_semaphore(%run_scoped3A : memref<!tpu.dma_semaphore, #tpu.memory_space<semaphore_mem>>)
      %dma_wait3A = arith.constant 0 : i32
      %dma_wait3A_66 = tpu.memref_slice %arg5[%arg0, %mul3A_60, %dma_wait3A] : memref<2x10112x128xf32, #tpu.memory_space<hbm>> -> memref<1x632x128xf32, #tpu.memory_space<hbm>>
      %dma_wait3A_67 = tpu.memref_squeeze %dma_wait3A_66 : memref<1x632x128xf32, #tpu.memory_space<hbm>> -> memref<632x128xf32, #tpu.memory_space<hbm>>
      %dma_wait3A_68 = arith.constant 0 : i32
      %dma_wait3A_69 = tpu.memref_slice %arg7[%mul3A_58, %dma_wait3A_68] : memref<10112x128xf32, #tpu.memory_space<vmem_shared>> -> memref<632x128xf32, #tpu.memory_space<vmem_shared>>
      tpu.wait_dma2 semaphore(%run_scoped3A : memref<!tpu.dma_semaphore, #tpu.memory_space<semaphore_mem>>) src(%dma_wait3A_69 : memref<632x128xf32, #tpu.memory_space<vmem_shared>>) dst(%dma_wait3A_67 : memref<632x128xf32, #tpu.memory_space<hbm>>)
      tpu.yield
    }) : () -> ()
    return
  }
}

#map = affine_map<(d0, d1) -> (0, 0)>
#map1 = affine_map<(d0, d1) -> (0, 0, 0)>
module attributes {stable_mosaic.version = 14 : i64} {
  func.func @_sc_gather_segsum(%arg0: i32, %arg1: i32, %arg2: memref<10000x128xf32, #tpu.memory_space<hbm>>, %arg3: memref<32x80x128xi32, #tpu.memory_space<hbm>>, %arg4: memref<2560x1x128xi32, #tpu.memory_space<hbm>>, %arg5: memref<632x128xf32, #tpu.memory_space<hbm>>, %arg6: memref<2x10112x128xf32, #tpu.memory_space<hbm>>, %arg7: memref<80x128xi32, #tpu.memory_space<vmem>>, %arg8: memref<2x1x128xi32, #tpu.memory_space<vmem>>, %arg9: memref<10112x128xf32, #tpu.memory_space<vmem_shared>>, %arg10: memref<128x128xf32, #tpu.memory_space<vmem>>, %arg11: memref<128x128xf32, #tpu.memory_space<vmem>>, %arg12: memref<!tpu.dma_semaphore, #tpu.memory_space<semaphore_mem>>, %arg13: memref<!tpu.dma_semaphore, #tpu.memory_space<semaphore_mem>>, %arg14: memref<!tpu.dma_semaphore, #tpu.memory_space<semaphore_mem>>, %arg15: memref<!tpu.dma_semaphore, #tpu.memory_space<semaphore_mem>>) attributes {dimension_semantics = [#tpu.dimension_semantics<core_parallel>, #tpu.dimension_semantics<subcore_parallel>], iteration_bounds = array<i64: 2, 16>, scalar_prefetch = 0 : i64, scratch_operands = 9 : i64, tpu.core_type = #tpu.core_type<sc_vector_subcore>, window_params = [{transform_indices = #map}, {transform_indices = #map1}, {transform_indices = #map1}, {transform_indices = #map}, {transform_indices = #map1}]} {
    %mul3A = arith.constant 16 : i32
    %mul3A_0 = arith.muli %arg0, %mul3A : i32
    %add3A = arith.addi %mul3A_0, %arg1 : i32
    %mul3A_1 = arith.constant 632 : i32
    %mul3A_2 = arith.muli %arg1, %mul3A_1 : i32
    "tpu.region"() ({
      %run_scoped3A = tpu.sem_alloc : memref<!tpu.dma_semaphore, #tpu.memory_space<semaphore_mem>>
      %dma_start3A_60 = arith.constant 0 : i32
      %dma_start3A_61 = tpu.memref_slice %arg9[%mul3A_2, %dma_start3A_60] : memref<10112x128xf32, #tpu.memory_space<vmem_shared>> -> memref<632x128xf32, #tpu.memory_space<vmem_shared>>
      tpu.enqueue_dma source(%arg5 : memref<632x128xf32, #tpu.memory_space<hbm>>) target(%dma_start3A_61 : memref<632x128xf32, #tpu.memory_space<vmem_shared>>) target_semaphore(%run_scoped3A : memref<!tpu.dma_semaphore, #tpu.memory_space<semaphore_mem>>)
      %dma_wait3A = arith.constant 0 : i32
      %dma_wait3A_62 = tpu.memref_slice %arg9[%mul3A_2, %dma_wait3A] : memref<10112x128xf32, #tpu.memory_space<vmem_shared>> -> memref<632x128xf32, #tpu.memory_space<vmem_shared>>
      tpu.wait_dma2 semaphore(%run_scoped3A : memref<!tpu.dma_semaphore, #tpu.memory_space<semaphore_mem>>) src(%arg5 : memref<632x128xf32, #tpu.memory_space<hbm>>) dst(%dma_wait3A_62 : memref<632x128xf32, #tpu.memory_space<vmem_shared>>)
      tpu.yield
    }) : () -> ()
    "tpu.region"() ({
      %run_scoped3A = tpu.sem_alloc : memref<!tpu.dma_semaphore, #tpu.memory_space<semaphore_mem>>
      %dma_start3A_60 = arith.constant 0 : i32
      %dma_start3A_61 = arith.constant 0 : i32
      %dma_start3A_62 = tpu.memref_slice %arg3[%add3A, %dma_start3A_60, %dma_start3A_61] : memref<32x80x128xi32, #tpu.memory_space<hbm>> -> memref<1x80x128xi32, #tpu.memory_space<hbm>>
      %dma_start3A_63 = tpu.memref_squeeze %dma_start3A_62 : memref<1x80x128xi32, #tpu.memory_space<hbm>> -> memref<80x128xi32, #tpu.memory_space<hbm>>
      %dma_start3A_64 = arith.constant 0 : i32
      %dma_start3A_65 = arith.constant 0 : i32
      %dma_start3A_66 = tpu.memref_slice %arg3[%add3A, %dma_start3A_64, %dma_start3A_65] : memref<32x80x128xi32, #tpu.memory_space<hbm>> -> memref<1x80x128xi32, #tpu.memory_space<hbm>>
      %dma_start3A_67 = tpu.memref_squeeze %dma_start3A_66 : memref<1x80x128xi32, #tpu.memory_space<hbm>> -> memref<80x128xi32, #tpu.memory_space<hbm>>
      tpu.enqueue_dma source(%dma_start3A_67 : memref<80x128xi32, #tpu.memory_space<hbm>>) target(%arg7 : memref<80x128xi32, #tpu.memory_space<vmem>>) target_semaphore(%run_scoped3A : memref<!tpu.dma_semaphore, #tpu.memory_space<semaphore_mem>>)
      %dma_wait3A = arith.constant 0 : i32
      %dma_wait3A_68 = arith.constant 0 : i32
      %dma_wait3A_69 = tpu.memref_slice %arg3[%add3A, %dma_wait3A, %dma_wait3A_68] : memref<32x80x128xi32, #tpu.memory_space<hbm>> -> memref<1x80x128xi32, #tpu.memory_space<hbm>>
      %dma_wait3A_70 = tpu.memref_squeeze %dma_wait3A_69 : memref<1x80x128xi32, #tpu.memory_space<hbm>> -> memref<80x128xi32, #tpu.memory_space<hbm>>
      %dma_wait3A_71 = arith.constant 0 : i32
      %dma_wait3A_72 = arith.constant 0 : i32
      %dma_wait3A_73 = tpu.memref_slice %arg3[%add3A, %dma_wait3A_71, %dma_wait3A_72] : memref<32x80x128xi32, #tpu.memory_space<hbm>> -> memref<1x80x128xi32, #tpu.memory_space<hbm>>
      %dma_wait3A_74 = tpu.memref_squeeze %dma_wait3A_73 : memref<1x80x128xi32, #tpu.memory_space<hbm>> -> memref<80x128xi32, #tpu.memory_space<hbm>>
      tpu.wait_dma2 semaphore(%run_scoped3A : memref<!tpu.dma_semaphore, #tpu.memory_space<semaphore_mem>>) src(%dma_wait3A_74 : memref<80x128xi32, #tpu.memory_space<hbm>>) dst(%arg7 : memref<80x128xi32, #tpu.memory_space<vmem>>)
      tpu.yield
    }) : () -> ()
    %barrier3A = arith.constant 0 : index
    tpu.barrier barrier_id(%barrier3A)
    %mul3A_3 = arith.constant 80 : i32
    %mul3A_4 = arith.muli %add3A, %mul3A_3 : i32
    %add3A_5 = arith.constant 0 : i32
    %add3A_6 = arith.addi %mul3A_4, %add3A_5 : i32
    %dma_start3A = arith.constant 0 : i32
    %dma_start3A_7 = arith.constant 0 : i32
    %dma_start3A_8 = arith.constant 0 : i32
    %dma_start3A_9 = tpu.memref_slice %arg8[%dma_start3A, %dma_start3A_7, %dma_start3A_8] : memref<2x1x128xi32, #tpu.memory_space<vmem>> -> memref<1x1x128xi32, #tpu.memory_space<vmem>>
    %dma_start3A_10 = tpu.memref_squeeze %dma_start3A_9 : memref<1x1x128xi32, #tpu.memory_space<vmem>> -> memref<1x128xi32, #tpu.memory_space<vmem>>
    %dma_start3A_11 = arith.constant 0 : i32
    %dma_start3A_12 = arith.constant 0 : i32
    %dma_start3A_13 = tpu.memref_slice %arg4[%add3A_6, %dma_start3A_11, %dma_start3A_12] : memref<2560x1x128xi32, #tpu.memory_space<hbm>> -> memref<1x1x128xi32, #tpu.memory_space<hbm>>
    %dma_start3A_14 = tpu.memref_squeeze %dma_start3A_13 : memref<1x1x128xi32, #tpu.memory_space<hbm>> -> memref<1x128xi32, #tpu.memory_space<hbm>>
    %dma_start3A_15 = arith.constant 0 : i32
    %dma_start3A_16 = arith.constant 0 : i32
    %dma_start3A_17 = tpu.memref_slice %arg8[%dma_start3A, %dma_start3A_15, %dma_start3A_16] : memref<2x1x128xi32, #tpu.memory_space<vmem>> -> memref<1x1x128xi32, #tpu.memory_space<vmem>>
    %dma_start3A_18 = tpu.memref_squeeze %dma_start3A_17 : memref<1x1x128xi32, #tpu.memory_space<vmem>> -> memref<1x128xi32, #tpu.memory_space<vmem>>
    %dma_start3A_19 = arith.constant 0 : i32
    %dma_start3A_20 = arith.constant 0 : i32
    %dma_start3A_21 = tpu.memref_slice %arg4[%add3A_6, %dma_start3A_19, %dma_start3A_20] : memref<2560x1x128xi32, #tpu.memory_space<hbm>> -> memref<1x1x128xi32, #tpu.memory_space<hbm>>
    %dma_start3A_22 = tpu.memref_squeeze %dma_start3A_21 : memref<1x1x128xi32, #tpu.memory_space<hbm>> -> memref<1x128xi32, #tpu.memory_space<hbm>>
    tpu.enqueue_dma source(%dma_start3A_22 : memref<1x128xi32, #tpu.memory_space<hbm>>) target(%dma_start3A_18 : memref<1x128xi32, #tpu.memory_space<vmem>>) target_semaphore(%arg14 : memref<!tpu.dma_semaphore, #tpu.memory_space<semaphore_mem>>)
    %mul3A_23 = arith.constant 80 : i32
    %mul3A_24 = arith.muli %add3A, %mul3A_23 : i32
    %add3A_25 = arith.constant 1 : i32
    %add3A_26 = arith.addi %mul3A_24, %add3A_25 : i32
    %dma_start3A_27 = arith.constant 1 : i32
    %dma_start3A_28 = arith.constant 0 : i32
    %dma_start3A_29 = arith.constant 0 : i32
    %dma_start3A_30 = tpu.memref_slice %arg8[%dma_start3A_27, %dma_start3A_28, %dma_start3A_29] : memref<2x1x128xi32, #tpu.memory_space<vmem>> -> memref<1x1x128xi32, #tpu.memory_space<vmem>>
    %dma_start3A_31 = tpu.memref_squeeze %dma_start3A_30 : memref<1x1x128xi32, #tpu.memory_space<vmem>> -> memref<1x128xi32, #tpu.memory_space<vmem>>
    %dma_start3A_32 = arith.constant 0 : i32
    %dma_start3A_33 = arith.constant 0 : i32
    %dma_start3A_34 = tpu.memref_slice %arg4[%add3A_26, %dma_start3A_32, %dma_start3A_33] : memref<2560x1x128xi32, #tpu.memory_space<hbm>> -> memref<1x1x128xi32, #tpu.memory_space<hbm>>
    %dma_start3A_35 = tpu.memref_squeeze %dma_start3A_34 : memref<1x1x128xi32, #tpu.memory_space<hbm>> -> memref<1x128xi32, #tpu.memory_space<hbm>>
    %dma_start3A_36 = arith.constant 0 : i32
    %dma_start3A_37 = arith.constant 0 : i32
    %dma_start3A_38 = tpu.memref_slice %arg8[%dma_start3A_27, %dma_start3A_36, %dma_start3A_37] : memref<2x1x128xi32, #tpu.memory_space<vmem>> -> memref<1x1x128xi32, #tpu.memory_space<vmem>>
    %dma_start3A_39 = tpu.memref_squeeze %dma_start3A_38 : memref<1x1x128xi32, #tpu.memory_space<vmem>> -> memref<1x128xi32, #tpu.memory_space<vmem>>
    %dma_start3A_40 = arith.constant 0 : i32
    %dma_start3A_41 = arith.constant 0 : i32
    %dma_start3A_42 = tpu.memref_slice %arg4[%add3A_26, %dma_start3A_40, %dma_start3A_41] : memref<2560x1x128xi32, #tpu.memory_space<hbm>> -> memref<1x1x128xi32, #tpu.memory_space<hbm>>
    %dma_start3A_43 = tpu.memref_squeeze %dma_start3A_42 : memref<1x1x128xi32, #tpu.memory_space<hbm>> -> memref<1x128xi32, #tpu.memory_space<hbm>>
    tpu.enqueue_dma source(%dma_start3A_43 : memref<1x128xi32, #tpu.memory_space<hbm>>) target(%dma_start3A_39 : memref<1x128xi32, #tpu.memory_space<vmem>>) target_semaphore(%arg15 : memref<!tpu.dma_semaphore, #tpu.memory_space<semaphore_mem>>)
    %dma_start3A_44 = arith.constant 0 : i32
    %dma_start3A_45 = arith.constant 0 : i32
    %dma_start3A_46 = tpu.memref_slice %arg7[%dma_start3A_44, %dma_start3A_45] : memref<80x128xi32, #tpu.memory_space<vmem>> -> memref<1x128xi32, #tpu.memory_space<vmem>>
    %dma_start3A_47 = tpu.memref_squeeze %dma_start3A_46 : memref<1x128xi32, #tpu.memory_space<vmem>> -> memref<128xi32, #tpu.memory_space<vmem>>
    %dma_start3A_48 = arith.constant 0 : i32
    %dma_start3A_49 = arith.constant 0 : i32
    %dma_start3A_50 = tpu.memref_slice %arg2[%dma_start3A_48, %dma_start3A_49] : memref<10000x128xf32, #tpu.memory_space<hbm>> -> memref<10000x128xf32, #tpu.memory_space<hbm>>
    tpu.enqueue_indirect_dma source(%dma_start3A_50 : memref<10000x128xf32, #tpu.memory_space<hbm>>) target(%arg10 : memref<128x128xf32, #tpu.memory_space<vmem>>) offsets(%dma_start3A_47 : memref<128xi32, #tpu.memory_space<vmem>>) semaphore(%arg12 : memref<!tpu.dma_semaphore, #tpu.memory_space<semaphore_mem>>)
    %scan3A = arith.constant 0 : i32
    %scan3A_51 = arith.constant 40 : i32
    %scan3A_52 = arith.addi %scan3A, %scan3A_51 : i32
    %scan3A_53 = arith.constant 1 : i32
    scf.for %scan3A_60 = %scan3A to %scan3A_52 step %scan3A_53  : i32 {
      %mul3A_61 = arith.constant 2 : i32
      %mul3A_62 = arith.muli %scan3A_60, %mul3A_61 : i32
      %add3A_63 = arith.constant 0 : i32
      %add3A_64 = arith.addi %mul3A_62, %add3A_63 : i32
      %dma_wait3A = arith.constant 0 : i32
      %dma_wait3A_65 = tpu.memref_slice %arg7[%add3A_64, %dma_wait3A] : memref<80x128xi32, #tpu.memory_space<vmem>> -> memref<1x128xi32, #tpu.memory_space<vmem>>
      %dma_wait3A_66 = tpu.memref_squeeze %dma_wait3A_65 : memref<1x128xi32, #tpu.memory_space<vmem>> -> memref<128xi32, #tpu.memory_space<vmem>>
      %dma_wait3A_67 = arith.constant 0 : i32
      %dma_wait3A_68 = arith.constant 0 : i32
      %dma_wait3A_69 = tpu.memref_slice %arg2[%dma_wait3A_67, %dma_wait3A_68] : memref<10000x128xf32, #tpu.memory_space<hbm>> -> memref<10000x128xf32, #tpu.memory_space<hbm>>
      tpu.wait_indirect_dma semaphore(%arg12 : memref<!tpu.dma_semaphore, #tpu.memory_space<semaphore_mem>>) src(%dma_wait3A_69 : memref<10000x128xf32, #tpu.memory_space<hbm>>) dst(%arg10 : memref<128x128xf32, #tpu.memory_space<vmem>>)
      %add3A_70 = arith.constant 1 : i32
      %add3A_71 = arith.addi %add3A_64, %add3A_70 : i32
      %lt3A = arith.constant 80 : i32
      %lt3A_72 = arith.cmpi slt, %add3A_71, %lt3A : i32
      %convert_element_type3A = arith.extui %lt3A_72 : i1 to i32
      %cond3A = arith.constant 0 : i32
      %cond3A_73 = arith.cmpi ne, %convert_element_type3A, %cond3A : i32
      scf.if %cond3A_73 {
        %add3A_144 = arith.constant 1 : i32
        %add3A_145 = arith.addi %add3A_64, %add3A_144 : i32
        %dma_start3A_146 = arith.constant 0 : i32
        %dma_start3A_147 = tpu.memref_slice %arg7[%add3A_145, %dma_start3A_146] : memref<80x128xi32, #tpu.memory_space<vmem>> -> memref<1x128xi32, #tpu.memory_space<vmem>>
        %dma_start3A_148 = tpu.memref_squeeze %dma_start3A_147 : memref<1x128xi32, #tpu.memory_space<vmem>> -> memref<128xi32, #tpu.memory_space<vmem>>
        %dma_start3A_149 = arith.constant 0 : i32
        %dma_start3A_150 = arith.constant 0 : i32
        %dma_start3A_151 = tpu.memref_slice %arg2[%dma_start3A_149, %dma_start3A_150] : memref<10000x128xf32, #tpu.memory_space<hbm>> -> memref<10000x128xf32, #tpu.memory_space<hbm>>
        tpu.enqueue_indirect_dma source(%dma_start3A_151 : memref<10000x128xf32, #tpu.memory_space<hbm>>) target(%arg11 : memref<128x128xf32, #tpu.memory_space<vmem>>) offsets(%dma_start3A_148 : memref<128xi32, #tpu.memory_space<vmem>>) semaphore(%arg13 : memref<!tpu.dma_semaphore, #tpu.memory_space<semaphore_mem>>)
      } else {
      }
      %dma_wait3A_74 = arith.constant 0 : i32
      %dma_wait3A_75 = arith.constant 0 : i32
      %dma_wait3A_76 = arith.constant 0 : i32
      %dma_wait3A_77 = arith.constant 0 : i32
      %dma_wait3A_78 = tpu.memref_slice %arg8[%dma_wait3A_75, %dma_wait3A_76, %dma_wait3A_77] : memref<2x1x128xi32, #tpu.memory_space<vmem>> -> memref<1x1x128xi32, #tpu.memory_space<vmem>>
      %dma_wait3A_79 = tpu.memref_squeeze %dma_wait3A_78 : memref<1x1x128xi32, #tpu.memory_space<vmem>> -> memref<1x128xi32, #tpu.memory_space<vmem>>
      %dma_wait3A_80 = arith.constant 0 : i32
      %dma_wait3A_81 = arith.constant 0 : i32
      %dma_wait3A_82 = tpu.memref_slice %arg4[%dma_wait3A_74, %dma_wait3A_80, %dma_wait3A_81] : memref<2560x1x128xi32, #tpu.memory_space<hbm>> -> memref<1x1x128xi32, #tpu.memory_space<hbm>>
      %dma_wait3A_83 = tpu.memref_squeeze %dma_wait3A_82 : memref<1x1x128xi32, #tpu.memory_space<hbm>> -> memref<1x128xi32, #tpu.memory_space<hbm>>
      %dma_wait3A_84 = arith.constant 0 : i32
      %dma_wait3A_85 = arith.constant 0 : i32
      %dma_wait3A_86 = tpu.memref_slice %arg8[%dma_wait3A_75, %dma_wait3A_84, %dma_wait3A_85] : memref<2x1x128xi32, #tpu.memory_space<vmem>> -> memref<1x1x128xi32, #tpu.memory_space<vmem>>
      %dma_wait3A_87 = tpu.memref_squeeze %dma_wait3A_86 : memref<1x1x128xi32, #tpu.memory_space<vmem>> -> memref<1x128xi32, #tpu.memory_space<vmem>>
      %dma_wait3A_88 = arith.constant 0 : i32
      %dma_wait3A_89 = arith.constant 0 : i32
      %dma_wait3A_90 = tpu.memref_slice %arg4[%dma_wait3A_74, %dma_wait3A_88, %dma_wait3A_89] : memref<2560x1x128xi32, #tpu.memory_space<hbm>> -> memref<1x1x128xi32, #tpu.memory_space<hbm>>
      %dma_wait3A_91 = tpu.memref_squeeze %dma_wait3A_90 : memref<1x1x128xi32, #tpu.memory_space<hbm>> -> memref<1x128xi32, #tpu.memory_space<hbm>>
      tpu.wait_dma2 semaphore(%arg14 : memref<!tpu.dma_semaphore, #tpu.memory_space<semaphore_mem>>) src(%dma_wait3A_91 : memref<1x128xi32, #tpu.memory_space<hbm>>) dst(%dma_wait3A_87 : memref<1x128xi32, #tpu.memory_space<vmem>>)
      %run_scoped3A = arith.constant 0 : i32
      %run_scoped3A_92 = arith.constant 0 : i32
      "tpu.region"() ({
        %run_scoped3A_144 = tpu.sem_alloc : memref<!tpu.dma_semaphore, #tpu.memory_space<semaphore_mem>>
        %dma_start3A_145 = arith.constant 0 : i32
        %dma_start3A_146 = tpu.memref_slice %arg8[%run_scoped3A, %run_scoped3A_92, %dma_start3A_145] : memref<2x1x128xi32, #tpu.memory_space<vmem>> -> memref<1x1x128xi32, #tpu.memory_space<vmem>>
        %dma_start3A_147 = tpu.memref_squeeze %dma_start3A_146 : memref<1x1x128xi32, #tpu.memory_space<vmem>> -> memref<128xi32, #tpu.memory_space<vmem>>
        %dma_start3A_148 = arith.constant 0 : i32
        %dma_start3A_149 = arith.constant 0 : i32
        %dma_start3A_150 = tpu.memref_slice %arg9[%dma_start3A_148, %dma_start3A_149] : memref<10112x128xf32, #tpu.memory_space<vmem_shared>> -> memref<10112x128xf32, #tpu.memory_space<vmem_shared>>
        tpu.enqueue_indirect_dma source(%arg10 : memref<128x128xf32, #tpu.memory_space<vmem>>) target(%dma_start3A_150 : memref<10112x128xf32, #tpu.memory_space<vmem_shared>>) offsets(%dma_start3A_147 : memref<128xi32, #tpu.memory_space<vmem>>) semaphore(%run_scoped3A_144 : memref<!tpu.dma_semaphore, #tpu.memory_space<semaphore_mem>>) {add = true}
        %dma_wait3A_151 = arith.constant 0 : i32
        %dma_wait3A_152 = tpu.memref_slice %arg8[%run_scoped3A, %run_scoped3A_92, %dma_wait3A_151] : memref<2x1x128xi32, #tpu.memory_space<vmem>> -> memref<1x1x128xi32, #tpu.memory_space<vmem>>
        %dma_wait3A_153 = tpu.memref_squeeze %dma_wait3A_152 : memref<1x1x128xi32, #tpu.memory_space<vmem>> -> memref<128xi32, #tpu.memory_space<vmem>>
        %dma_wait3A_154 = arith.constant 0 : i32
        %dma_wait3A_155 = arith.constant 0 : i32
        %dma_wait3A_156 = tpu.memref_slice %arg9[%dma_wait3A_154, %dma_wait3A_155] : memref<10112x128xf32, #tpu.memory_space<vmem_shared>> -> memref<10112x128xf32, #tpu.memory_space<vmem_shared>>
        tpu.wait_indirect_dma semaphore(%run_scoped3A_144 : memref<!tpu.dma_semaphore, #tpu.memory_space<semaphore_mem>>) src(%arg10 : memref<128x128xf32, #tpu.memory_space<vmem>>) dst(%dma_wait3A_156 : memref<10112x128xf32, #tpu.memory_space<vmem_shared>>)
        tpu.yield
      }) : () -> ()
      %add3A_93 = arith.constant 2 : i32
      %add3A_94 = arith.addi %add3A_64, %add3A_93 : i32
      %lt3A_95 = arith.constant 80 : i32
      %lt3A_96 = arith.cmpi slt, %add3A_94, %lt3A_95 : i32
      %convert_element_type3A_97 = arith.extui %lt3A_96 : i1 to i32
      %cond3A_98 = arith.constant 0 : i32
      %cond3A_99 = arith.cmpi ne, %convert_element_type3A_97, %cond3A_98 : i32
      scf.if %cond3A_99 {
        %add3A_144 = arith.constant 2 : i32
        %add3A_145 = arith.addi %add3A_64, %add3A_144 : i32
        %mul3A_146 = arith.constant 80 : i32
        %mul3A_147 = arith.muli %add3A, %mul3A_146 : i32
        %add3A_148 = arith.addi %mul3A_147, %add3A_145 : i32
        %dma_start3A_149 = arith.constant 0 : i32
        %dma_start3A_150 = arith.constant 0 : i32
        %dma_start3A_151 = arith.constant 0 : i32
        %dma_start3A_152 = tpu.memref_slice %arg8[%dma_start3A_149, %dma_start3A_150, %dma_start3A_151] : memref<2x1x128xi32, #tpu.memory_space<vmem>> -> memref<1x1x128xi32, #tpu.memory_space<vmem>>
        %dma_start3A_153 = tpu.memref_squeeze %dma_start3A_152 : memref<1x1x128xi32, #tpu.memory_space<vmem>> -> memref<1x128xi32, #tpu.memory_space<vmem>>
        %dma_start3A_154 = arith.constant 0 : i32
        %dma_start3A_155 = arith.constant 0 : i32
        %dma_start3A_156 = tpu.memref_slice %arg4[%add3A_148, %dma_start3A_154, %dma_start3A_155] : memref<2560x1x128xi32, #tpu.memory_space<hbm>> -> memref<1x1x128xi32, #tpu.memory_space<hbm>>
        %dma_start3A_157 = tpu.memref_squeeze %dma_start3A_156 : memref<1x1x128xi32, #tpu.memory_space<hbm>> -> memref<1x128xi32, #tpu.memory_space<hbm>>
        %dma_start3A_158 = arith.constant 0 : i32
        %dma_start3A_159 = arith.constant 0 : i32
        %dma_start3A_160 = tpu.memref_slice %arg8[%dma_start3A_149, %dma_start3A_158, %dma_start3A_159] : memref<2x1x128xi32, #tpu.memory_space<vmem>> -> memref<1x1x128xi32, #tpu.memory_space<vmem>>
        %dma_start3A_161 = tpu.memref_squeeze %dma_start3A_160 : memref<1x1x128xi32, #tpu.memory_space<vmem>> -> memref<1x128xi32, #tpu.memory_space<vmem>>
        %dma_start3A_162 = arith.constant 0 : i32
        %dma_start3A_163 = arith.constant 0 : i32
        %dma_start3A_164 = tpu.memref_slice %arg4[%add3A_148, %dma_start3A_162, %dma_start3A_163] : memref<2560x1x128xi32, #tpu.memory_space<hbm>> -> memref<1x1x128xi32, #tpu.memory_space<hbm>>
        %dma_start3A_165 = tpu.memref_squeeze %dma_start3A_164 : memref<1x1x128xi32, #tpu.memory_space<hbm>> -> memref<1x128xi32, #tpu.memory_space<hbm>>
        tpu.enqueue_dma source(%dma_start3A_165 : memref<1x128xi32, #tpu.memory_space<hbm>>) target(%dma_start3A_161 : memref<1x128xi32, #tpu.memory_space<vmem>>) target_semaphore(%arg14 : memref<!tpu.dma_semaphore, #tpu.memory_space<semaphore_mem>>)
      } else {
      }
      %mul3A_100 = arith.constant 2 : i32
      %mul3A_101 = arith.muli %scan3A_60, %mul3A_100 : i32
      %add3A_102 = arith.constant 1 : i32
      %add3A_103 = arith.addi %mul3A_101, %add3A_102 : i32
      %dma_wait3A_104 = arith.constant 0 : i32
      %dma_wait3A_105 = tpu.memref_slice %arg7[%add3A_103, %dma_wait3A_104] : memref<80x128xi32, #tpu.memory_space<vmem>> -> memref<1x128xi32, #tpu.memory_space<vmem>>
      %dma_wait3A_106 = tpu.memref_squeeze %dma_wait3A_105 : memref<1x128xi32, #tpu.memory_space<vmem>> -> memref<128xi32, #tpu.memory_space<vmem>>
      %dma_wait3A_107 = arith.constant 0 : i32
      %dma_wait3A_108 = arith.constant 0 : i32
      %dma_wait3A_109 = tpu.memref_slice %arg2[%dma_wait3A_107, %dma_wait3A_108] : memref<10000x128xf32, #tpu.memory_space<hbm>> -> memref<10000x128xf32, #tpu.memory_space<hbm>>
      tpu.wait_indirect_dma semaphore(%arg13 : memref<!tpu.dma_semaphore, #tpu.memory_space<semaphore_mem>>) src(%dma_wait3A_109 : memref<10000x128xf32, #tpu.memory_space<hbm>>) dst(%arg11 : memref<128x128xf32, #tpu.memory_space<vmem>>)
      %add3A_110 = arith.constant 1 : i32
      %add3A_111 = arith.addi %add3A_103, %add3A_110 : i32
      %lt3A_112 = arith.constant 80 : i32
      %lt3A_113 = arith.cmpi slt, %add3A_111, %lt3A_112 : i32
      %convert_element_type3A_114 = arith.extui %lt3A_113 : i1 to i32
      %cond3A_115 = arith.constant 0 : i32
      %cond3A_116 = arith.cmpi ne, %convert_element_type3A_114, %cond3A_115 : i32
      scf.if %cond3A_116 {
        %add3A_144 = arith.constant 1 : i32
        %add3A_145 = arith.addi %add3A_103, %add3A_144 : i32
        %dma_start3A_146 = arith.constant 0 : i32
        %dma_start3A_147 = tpu.memref_slice %arg7[%add3A_145, %dma_start3A_146] : memref<80x128xi32, #tpu.memory_space<vmem>> -> memref<1x128xi32, #tpu.memory_space<vmem>>
        %dma_start3A_148 = tpu.memref_squeeze %dma_start3A_147 : memref<1x128xi32, #tpu.memory_space<vmem>> -> memref<128xi32, #tpu.memory_space<vmem>>
        %dma_start3A_149 = arith.constant 0 : i32
        %dma_start3A_150 = arith.constant 0 : i32
        %dma_start3A_151 = tpu.memref_slice %arg2[%dma_start3A_149, %dma_start3A_150] : memref<10000x128xf32, #tpu.memory_space<hbm>> -> memref<10000x128xf32, #tpu.memory_space<hbm>>
        tpu.enqueue_indirect_dma source(%dma_start3A_151 : memref<10000x128xf32, #tpu.memory_space<hbm>>) target(%arg10 : memref<128x128xf32, #tpu.memory_space<vmem>>) offsets(%dma_start3A_148 : memref<128xi32, #tpu.memory_space<vmem>>) semaphore(%arg12 : memref<!tpu.dma_semaphore, #tpu.memory_space<semaphore_mem>>)
      } else {
      }
      %dma_wait3A_117 = arith.constant 0 : i32
      %dma_wait3A_118 = arith.constant 1 : i32
      %dma_wait3A_119 = arith.constant 0 : i32
      %dma_wait3A_120 = arith.constant 0 : i32
      %dma_wait3A_121 = tpu.memref_slice %arg8[%dma_wait3A_118, %dma_wait3A_119, %dma_wait3A_120] : memref<2x1x128xi32, #tpu.memory_space<vmem>> -> memref<1x1x128xi32, #tpu.memory_space<vmem>>
      %dma_wait3A_122 = tpu.memref_squeeze %dma_wait3A_121 : memref<1x1x128xi32, #tpu.memory_space<vmem>> -> memref<1x128xi32, #tpu.memory_space<vmem>>
      %dma_wait3A_123 = arith.constant 0 : i32
      %dma_wait3A_124 = arith.constant 0 : i32
      %dma_wait3A_125 = tpu.memref_slice %arg4[%dma_wait3A_117, %dma_wait3A_123, %dma_wait3A_124] : memref<2560x1x128xi32, #tpu.memory_space<hbm>> -> memref<1x1x128xi32, #tpu.memory_space<hbm>>
      %dma_wait3A_126 = tpu.memref_squeeze %dma_wait3A_125 : memref<1x1x128xi32, #tpu.memory_space<hbm>> -> memref<1x128xi32, #tpu.memory_space<hbm>>
      %dma_wait3A_127 = arith.constant 0 : i32
      %dma_wait3A_128 = arith.constant 0 : i32
      %dma_wait3A_129 = tpu.memref_slice %arg8[%dma_wait3A_118, %dma_wait3A_127, %dma_wait3A_128] : memref<2x1x128xi32, #tpu.memory_space<vmem>> -> memref<1x1x128xi32, #tpu.memory_space<vmem>>
      %dma_wait3A_130 = tpu.memref_squeeze %dma_wait3A_129 : memref<1x1x128xi32, #tpu.memory_space<vmem>> -> memref<1x128xi32, #tpu.memory_space<vmem>>
      %dma_wait3A_131 = arith.constant 0 : i32
      %dma_wait3A_132 = arith.constant 0 : i32
      %dma_wait3A_133 = tpu.memref_slice %arg4[%dma_wait3A_117, %dma_wait3A_131, %dma_wait3A_132] : memref<2560x1x128xi32, #tpu.memory_space<hbm>> -> memref<1x1x128xi32, #tpu.memory_space<hbm>>
      %dma_wait3A_134 = tpu.memref_squeeze %dma_wait3A_133 : memref<1x1x128xi32, #tpu.memory_space<hbm>> -> memref<1x128xi32, #tpu.memory_space<hbm>>
      tpu.wait_dma2 semaphore(%arg15 : memref<!tpu.dma_semaphore, #tpu.memory_space<semaphore_mem>>) src(%dma_wait3A_134 : memref<1x128xi32, #tpu.memory_space<hbm>>) dst(%dma_wait3A_130 : memref<1x128xi32, #tpu.memory_space<vmem>>)
      %run_scoped3A_135 = arith.constant 1 : i32
      %run_scoped3A_136 = arith.constant 0 : i32
      "tpu.region"() ({
        %run_scoped3A_144 = tpu.sem_alloc : memref<!tpu.dma_semaphore, #tpu.memory_space<semaphore_mem>>
        %dma_start3A_145 = arith.constant 0 : i32
        %dma_start3A_146 = tpu.memref_slice %arg8[%run_scoped3A_135, %run_scoped3A_136, %dma_start3A_145] : memref<2x1x128xi32, #tpu.memory_space<vmem>> -> memref<1x1x128xi32, #tpu.memory_space<vmem>>
        %dma_start3A_147 = tpu.memref_squeeze %dma_start3A_146 : memref<1x1x128xi32, #tpu.memory_space<vmem>> -> memref<128xi32, #tpu.memory_space<vmem>>
        %dma_start3A_148 = arith.constant 0 : i32
        %dma_start3A_149 = arith.constant 0 : i32
        %dma_start3A_150 = tpu.memref_slice %arg9[%dma_start3A_148, %dma_start3A_149] : memref<10112x128xf32, #tpu.memory_space<vmem_shared>> -> memref<10112x128xf32, #tpu.memory_space<vmem_shared>>
        tpu.enqueue_indirect_dma source(%arg11 : memref<128x128xf32, #tpu.memory_space<vmem>>) target(%dma_start3A_150 : memref<10112x128xf32, #tpu.memory_space<vmem_shared>>) offsets(%dma_start3A_147 : memref<128xi32, #tpu.memory_space<vmem>>) semaphore(%run_scoped3A_144 : memref<!tpu.dma_semaphore, #tpu.memory_space<semaphore_mem>>) {add = true}
        %dma_wait3A_151 = arith.constant 0 : i32
        %dma_wait3A_152 = tpu.memref_slice %arg8[%run_scoped3A_135, %run_scoped3A_136, %dma_wait3A_151] : memref<2x1x128xi32, #tpu.memory_space<vmem>> -> memref<1x1x128xi32, #tpu.memory_space<vmem>>
        %dma_wait3A_153 = tpu.memref_squeeze %dma_wait3A_152 : memref<1x1x128xi32, #tpu.memory_space<vmem>> -> memref<128xi32, #tpu.memory_space<vmem>>
        %dma_wait3A_154 = arith.constant 0 : i32
        %dma_wait3A_155 = arith.constant 0 : i32
        %dma_wait3A_156 = tpu.memref_slice %arg9[%dma_wait3A_154, %dma_wait3A_155] : memref<10112x128xf32, #tpu.memory_space<vmem_shared>> -> memref<10112x128xf32, #tpu.memory_space<vmem_shared>>
        tpu.wait_indirect_dma semaphore(%run_scoped3A_144 : memref<!tpu.dma_semaphore, #tpu.memory_space<semaphore_mem>>) src(%arg11 : memref<128x128xf32, #tpu.memory_space<vmem>>) dst(%dma_wait3A_156 : memref<10112x128xf32, #tpu.memory_space<vmem_shared>>)
        tpu.yield
      }) : () -> ()
      %add3A_137 = arith.constant 2 : i32
      %add3A_138 = arith.addi %add3A_103, %add3A_137 : i32
      %lt3A_139 = arith.constant 80 : i32
      %lt3A_140 = arith.cmpi slt, %add3A_138, %lt3A_139 : i32
      %convert_element_type3A_141 = arith.extui %lt3A_140 : i1 to i32
      %cond3A_142 = arith.constant 0 : i32
      %cond3A_143 = arith.cmpi ne, %convert_element_type3A_141, %cond3A_142 : i32
      scf.if %cond3A_143 {
        %add3A_144 = arith.constant 2 : i32
        %add3A_145 = arith.addi %add3A_103, %add3A_144 : i32
        %mul3A_146 = arith.constant 80 : i32
        %mul3A_147 = arith.muli %add3A, %mul3A_146 : i32
        %add3A_148 = arith.addi %mul3A_147, %add3A_145 : i32
        %dma_start3A_149 = arith.constant 1 : i32
        %dma_start3A_150 = arith.constant 0 : i32
        %dma_start3A_151 = arith.constant 0 : i32
        %dma_start3A_152 = tpu.memref_slice %arg8[%dma_start3A_149, %dma_start3A_150, %dma_start3A_151] : memref<2x1x128xi32, #tpu.memory_space<vmem>> -> memref<1x1x128xi32, #tpu.memory_space<vmem>>
        %dma_start3A_153 = tpu.memref_squeeze %dma_start3A_152 : memref<1x1x128xi32, #tpu.memory_space<vmem>> -> memref<1x128xi32, #tpu.memory_space<vmem>>
        %dma_start3A_154 = arith.constant 0 : i32
        %dma_start3A_155 = arith.constant 0 : i32
        %dma_start3A_156 = tpu.memref_slice %arg4[%add3A_148, %dma_start3A_154, %dma_start3A_155] : memref<2560x1x128xi32, #tpu.memory_space<hbm>> -> memref<1x1x128xi32, #tpu.memory_space<hbm>>
        %dma_start3A_157 = tpu.memref_squeeze %dma_start3A_156 : memref<1x1x128xi32, #tpu.memory_space<hbm>> -> memref<1x128xi32, #tpu.memory_space<hbm>>
        %dma_start3A_158 = arith.constant 0 : i32
        %dma_start3A_159 = arith.constant 0 : i32
        %dma_start3A_160 = tpu.memref_slice %arg8[%dma_start3A_149, %dma_start3A_158, %dma_start3A_159] : memref<2x1x128xi32, #tpu.memory_space<vmem>> -> memref<1x1x128xi32, #tpu.memory_space<vmem>>
        %dma_start3A_161 = tpu.memref_squeeze %dma_start3A_160 : memref<1x1x128xi32, #tpu.memory_space<vmem>> -> memref<1x128xi32, #tpu.memory_space<vmem>>
        %dma_start3A_162 = arith.constant 0 : i32
        %dma_start3A_163 = arith.constant 0 : i32
        %dma_start3A_164 = tpu.memref_slice %arg4[%add3A_148, %dma_start3A_162, %dma_start3A_163] : memref<2560x1x128xi32, #tpu.memory_space<hbm>> -> memref<1x1x128xi32, #tpu.memory_space<hbm>>
        %dma_start3A_165 = tpu.memref_squeeze %dma_start3A_164 : memref<1x1x128xi32, #tpu.memory_space<hbm>> -> memref<1x128xi32, #tpu.memory_space<hbm>>
        tpu.enqueue_dma source(%dma_start3A_165 : memref<1x128xi32, #tpu.memory_space<hbm>>) target(%dma_start3A_161 : memref<1x128xi32, #tpu.memory_space<vmem>>) target_semaphore(%arg15 : memref<!tpu.dma_semaphore, #tpu.memory_space<semaphore_mem>>)
      } else {
      }
    }
    %scan3A_54 = arith.constant 40 : i32
    %barrier3A_55 = arith.constant 0 : index
    tpu.barrier barrier_id(%barrier3A_55)
    %mul3A_56 = arith.constant 632 : i32
    %mul3A_57 = arith.muli %arg1, %mul3A_56 : i32
    %mul3A_58 = arith.constant 632 : i32
    %mul3A_59 = arith.muli %arg1, %mul3A_58 : i32
    "tpu.region"() ({
      %run_scoped3A = tpu.sem_alloc : memref<!tpu.dma_semaphore, #tpu.memory_space<semaphore_mem>>
      %dma_start3A_60 = arith.constant 0 : i32
      %dma_start3A_61 = tpu.memref_slice %arg6[%arg0, %mul3A_59, %dma_start3A_60] : memref<2x10112x128xf32, #tpu.memory_space<hbm>> -> memref<1x632x128xf32, #tpu.memory_space<hbm>>
      %dma_start3A_62 = tpu.memref_squeeze %dma_start3A_61 : memref<1x632x128xf32, #tpu.memory_space<hbm>> -> memref<632x128xf32, #tpu.memory_space<hbm>>
      %dma_start3A_63 = arith.constant 0 : i32
      %dma_start3A_64 = tpu.memref_slice %arg9[%mul3A_57, %dma_start3A_63] : memref<10112x128xf32, #tpu.memory_space<vmem_shared>> -> memref<632x128xf32, #tpu.memory_space<vmem_shared>>
      tpu.enqueue_dma source(%dma_start3A_64 : memref<632x128xf32, #tpu.memory_space<vmem_shared>>) target(%dma_start3A_62 : memref<632x128xf32, #tpu.memory_space<hbm>>) target_semaphore(%run_scoped3A : memref<!tpu.dma_semaphore, #tpu.memory_space<semaphore_mem>>)
      %dma_wait3A = arith.constant 0 : i32
      %dma_wait3A_65 = tpu.memref_slice %arg6[%arg0, %mul3A_59, %dma_wait3A] : memref<2x10112x128xf32, #tpu.memory_space<hbm>> -> memref<1x632x128xf32, #tpu.memory_space<hbm>>
      %dma_wait3A_66 = tpu.memref_squeeze %dma_wait3A_65 : memref<1x632x128xf32, #tpu.memory_space<hbm>> -> memref<632x128xf32, #tpu.memory_space<hbm>>
      %dma_wait3A_67 = arith.constant 0 : i32
      %dma_wait3A_68 = tpu.memref_slice %arg9[%mul3A_57, %dma_wait3A_67] : memref<10112x128xf32, #tpu.memory_space<vmem_shared>> -> memref<632x128xf32, #tpu.memory_space<vmem_shared>>
      tpu.wait_dma2 semaphore(%run_scoped3A : memref<!tpu.dma_semaphore, #tpu.memory_space<semaphore_mem>>) src(%dma_wait3A_68 : memref<632x128xf32, #tpu.memory_space<vmem_shared>>) dst(%dma_wait3A_66 : memref<632x128xf32, #tpu.memory_space<hbm>>)
      tpu.yield
    }) : () -> ()
    return
  }
}

#map = affine_map<(d0, d1) -> (0, 0)>
#map1 = affine_map<(d0, d1) -> (0, 0, 0)>
module attributes {stable_mosaic.version = 14 : i64} {
  func.func @_sc_gather_segsum(%arg0: i32, %arg1: i32, %arg2: memref<10112x128xf32, #tpu.memory_space<hbm>>, %arg3: memref<32x80x128xi32, #tpu.memory_space<hbm>>, %arg4: memref<2560x1x128xi32, #tpu.memory_space<hbm>>, %arg5: memref<632x128xf32, #tpu.memory_space<hbm>>, %arg6: memref<2x10112x128xf32, #tpu.memory_space<hbm>>, %arg7: memref<80x128xi32, #tpu.memory_space<vmem>>, %arg8: memref<2x1x128xi32, #tpu.memory_space<vmem>>, %arg9: memref<10112x128xf32, #tpu.memory_space<vmem_shared>>, %arg10: memref<128x128xf32, #tpu.memory_space<vmem>>, %arg11: memref<128x128xf32, #tpu.memory_space<vmem>>, %arg12: memref<!tpu.dma_semaphore, #tpu.memory_space<semaphore_mem>>, %arg13: memref<!tpu.dma_semaphore, #tpu.memory_space<semaphore_mem>>, %arg14: memref<!tpu.dma_semaphore, #tpu.memory_space<semaphore_mem>>, %arg15: memref<!tpu.dma_semaphore, #tpu.memory_space<semaphore_mem>>) attributes {dimension_semantics = [#tpu.dimension_semantics<core_parallel>, #tpu.dimension_semantics<subcore_parallel>], iteration_bounds = array<i64: 2, 16>, scalar_prefetch = 0 : i64, scratch_operands = 9 : i64, tpu.core_type = #tpu.core_type<sc_vector_subcore>, window_params = [{transform_indices = #map}, {transform_indices = #map1}, {transform_indices = #map1}, {transform_indices = #map}, {transform_indices = #map1}]} {
    %mul3A = arith.constant 16 : i32
    %mul3A_0 = arith.muli %arg0, %mul3A : i32
    %add3A = arith.addi %mul3A_0, %arg1 : i32
    %mul3A_1 = arith.constant 632 : i32
    %mul3A_2 = arith.muli %arg1, %mul3A_1 : i32
    "tpu.region"() ({
      %run_scoped3A = tpu.sem_alloc : memref<!tpu.dma_semaphore, #tpu.memory_space<semaphore_mem>>
      %dma_start3A_60 = arith.constant 0 : i32
      %dma_start3A_61 = tpu.memref_slice %arg9[%mul3A_2, %dma_start3A_60] : memref<10112x128xf32, #tpu.memory_space<vmem_shared>> -> memref<632x128xf32, #tpu.memory_space<vmem_shared>>
      tpu.enqueue_dma source(%arg5 : memref<632x128xf32, #tpu.memory_space<hbm>>) target(%dma_start3A_61 : memref<632x128xf32, #tpu.memory_space<vmem_shared>>) target_semaphore(%run_scoped3A : memref<!tpu.dma_semaphore, #tpu.memory_space<semaphore_mem>>)
      %dma_wait3A = arith.constant 0 : i32
      %dma_wait3A_62 = tpu.memref_slice %arg9[%mul3A_2, %dma_wait3A] : memref<10112x128xf32, #tpu.memory_space<vmem_shared>> -> memref<632x128xf32, #tpu.memory_space<vmem_shared>>
      tpu.wait_dma2 semaphore(%run_scoped3A : memref<!tpu.dma_semaphore, #tpu.memory_space<semaphore_mem>>) src(%arg5 : memref<632x128xf32, #tpu.memory_space<hbm>>) dst(%dma_wait3A_62 : memref<632x128xf32, #tpu.memory_space<vmem_shared>>)
      tpu.yield
    }) : () -> ()
    "tpu.region"() ({
      %run_scoped3A = tpu.sem_alloc : memref<!tpu.dma_semaphore, #tpu.memory_space<semaphore_mem>>
      %dma_start3A_60 = arith.constant 0 : i32
      %dma_start3A_61 = arith.constant 0 : i32
      %dma_start3A_62 = tpu.memref_slice %arg3[%add3A, %dma_start3A_60, %dma_start3A_61] : memref<32x80x128xi32, #tpu.memory_space<hbm>> -> memref<1x80x128xi32, #tpu.memory_space<hbm>>
      %dma_start3A_63 = tpu.memref_squeeze %dma_start3A_62 : memref<1x80x128xi32, #tpu.memory_space<hbm>> -> memref<80x128xi32, #tpu.memory_space<hbm>>
      %dma_start3A_64 = arith.constant 0 : i32
      %dma_start3A_65 = arith.constant 0 : i32
      %dma_start3A_66 = tpu.memref_slice %arg3[%add3A, %dma_start3A_64, %dma_start3A_65] : memref<32x80x128xi32, #tpu.memory_space<hbm>> -> memref<1x80x128xi32, #tpu.memory_space<hbm>>
      %dma_start3A_67 = tpu.memref_squeeze %dma_start3A_66 : memref<1x80x128xi32, #tpu.memory_space<hbm>> -> memref<80x128xi32, #tpu.memory_space<hbm>>
      tpu.enqueue_dma source(%dma_start3A_67 : memref<80x128xi32, #tpu.memory_space<hbm>>) target(%arg7 : memref<80x128xi32, #tpu.memory_space<vmem>>) target_semaphore(%run_scoped3A : memref<!tpu.dma_semaphore, #tpu.memory_space<semaphore_mem>>)
      %dma_wait3A = arith.constant 0 : i32
      %dma_wait3A_68 = arith.constant 0 : i32
      %dma_wait3A_69 = tpu.memref_slice %arg3[%add3A, %dma_wait3A, %dma_wait3A_68] : memref<32x80x128xi32, #tpu.memory_space<hbm>> -> memref<1x80x128xi32, #tpu.memory_space<hbm>>
      %dma_wait3A_70 = tpu.memref_squeeze %dma_wait3A_69 : memref<1x80x128xi32, #tpu.memory_space<hbm>> -> memref<80x128xi32, #tpu.memory_space<hbm>>
      %dma_wait3A_71 = arith.constant 0 : i32
      %dma_wait3A_72 = arith.constant 0 : i32
      %dma_wait3A_73 = tpu.memref_slice %arg3[%add3A, %dma_wait3A_71, %dma_wait3A_72] : memref<32x80x128xi32, #tpu.memory_space<hbm>> -> memref<1x80x128xi32, #tpu.memory_space<hbm>>
      %dma_wait3A_74 = tpu.memref_squeeze %dma_wait3A_73 : memref<1x80x128xi32, #tpu.memory_space<hbm>> -> memref<80x128xi32, #tpu.memory_space<hbm>>
      tpu.wait_dma2 semaphore(%run_scoped3A : memref<!tpu.dma_semaphore, #tpu.memory_space<semaphore_mem>>) src(%dma_wait3A_74 : memref<80x128xi32, #tpu.memory_space<hbm>>) dst(%arg7 : memref<80x128xi32, #tpu.memory_space<vmem>>)
      tpu.yield
    }) : () -> ()
    %barrier3A = arith.constant 0 : index
    tpu.barrier barrier_id(%barrier3A)
    %mul3A_3 = arith.constant 80 : i32
    %mul3A_4 = arith.muli %add3A, %mul3A_3 : i32
    %add3A_5 = arith.constant 0 : i32
    %add3A_6 = arith.addi %mul3A_4, %add3A_5 : i32
    %dma_start3A = arith.constant 0 : i32
    %dma_start3A_7 = arith.constant 0 : i32
    %dma_start3A_8 = arith.constant 0 : i32
    %dma_start3A_9 = tpu.memref_slice %arg8[%dma_start3A, %dma_start3A_7, %dma_start3A_8] : memref<2x1x128xi32, #tpu.memory_space<vmem>> -> memref<1x1x128xi32, #tpu.memory_space<vmem>>
    %dma_start3A_10 = tpu.memref_squeeze %dma_start3A_9 : memref<1x1x128xi32, #tpu.memory_space<vmem>> -> memref<1x128xi32, #tpu.memory_space<vmem>>
    %dma_start3A_11 = arith.constant 0 : i32
    %dma_start3A_12 = arith.constant 0 : i32
    %dma_start3A_13 = tpu.memref_slice %arg4[%add3A_6, %dma_start3A_11, %dma_start3A_12] : memref<2560x1x128xi32, #tpu.memory_space<hbm>> -> memref<1x1x128xi32, #tpu.memory_space<hbm>>
    %dma_start3A_14 = tpu.memref_squeeze %dma_start3A_13 : memref<1x1x128xi32, #tpu.memory_space<hbm>> -> memref<1x128xi32, #tpu.memory_space<hbm>>
    %dma_start3A_15 = arith.constant 0 : i32
    %dma_start3A_16 = arith.constant 0 : i32
    %dma_start3A_17 = tpu.memref_slice %arg8[%dma_start3A, %dma_start3A_15, %dma_start3A_16] : memref<2x1x128xi32, #tpu.memory_space<vmem>> -> memref<1x1x128xi32, #tpu.memory_space<vmem>>
    %dma_start3A_18 = tpu.memref_squeeze %dma_start3A_17 : memref<1x1x128xi32, #tpu.memory_space<vmem>> -> memref<1x128xi32, #tpu.memory_space<vmem>>
    %dma_start3A_19 = arith.constant 0 : i32
    %dma_start3A_20 = arith.constant 0 : i32
    %dma_start3A_21 = tpu.memref_slice %arg4[%add3A_6, %dma_start3A_19, %dma_start3A_20] : memref<2560x1x128xi32, #tpu.memory_space<hbm>> -> memref<1x1x128xi32, #tpu.memory_space<hbm>>
    %dma_start3A_22 = tpu.memref_squeeze %dma_start3A_21 : memref<1x1x128xi32, #tpu.memory_space<hbm>> -> memref<1x128xi32, #tpu.memory_space<hbm>>
    tpu.enqueue_dma source(%dma_start3A_22 : memref<1x128xi32, #tpu.memory_space<hbm>>) target(%dma_start3A_18 : memref<1x128xi32, #tpu.memory_space<vmem>>) target_semaphore(%arg14 : memref<!tpu.dma_semaphore, #tpu.memory_space<semaphore_mem>>)
    %mul3A_23 = arith.constant 80 : i32
    %mul3A_24 = arith.muli %add3A, %mul3A_23 : i32
    %add3A_25 = arith.constant 1 : i32
    %add3A_26 = arith.addi %mul3A_24, %add3A_25 : i32
    %dma_start3A_27 = arith.constant 1 : i32
    %dma_start3A_28 = arith.constant 0 : i32
    %dma_start3A_29 = arith.constant 0 : i32
    %dma_start3A_30 = tpu.memref_slice %arg8[%dma_start3A_27, %dma_start3A_28, %dma_start3A_29] : memref<2x1x128xi32, #tpu.memory_space<vmem>> -> memref<1x1x128xi32, #tpu.memory_space<vmem>>
    %dma_start3A_31 = tpu.memref_squeeze %dma_start3A_30 : memref<1x1x128xi32, #tpu.memory_space<vmem>> -> memref<1x128xi32, #tpu.memory_space<vmem>>
    %dma_start3A_32 = arith.constant 0 : i32
    %dma_start3A_33 = arith.constant 0 : i32
    %dma_start3A_34 = tpu.memref_slice %arg4[%add3A_26, %dma_start3A_32, %dma_start3A_33] : memref<2560x1x128xi32, #tpu.memory_space<hbm>> -> memref<1x1x128xi32, #tpu.memory_space<hbm>>
    %dma_start3A_35 = tpu.memref_squeeze %dma_start3A_34 : memref<1x1x128xi32, #tpu.memory_space<hbm>> -> memref<1x128xi32, #tpu.memory_space<hbm>>
    %dma_start3A_36 = arith.constant 0 : i32
    %dma_start3A_37 = arith.constant 0 : i32
    %dma_start3A_38 = tpu.memref_slice %arg8[%dma_start3A_27, %dma_start3A_36, %dma_start3A_37] : memref<2x1x128xi32, #tpu.memory_space<vmem>> -> memref<1x1x128xi32, #tpu.memory_space<vmem>>
    %dma_start3A_39 = tpu.memref_squeeze %dma_start3A_38 : memref<1x1x128xi32, #tpu.memory_space<vmem>> -> memref<1x128xi32, #tpu.memory_space<vmem>>
    %dma_start3A_40 = arith.constant 0 : i32
    %dma_start3A_41 = arith.constant 0 : i32
    %dma_start3A_42 = tpu.memref_slice %arg4[%add3A_26, %dma_start3A_40, %dma_start3A_41] : memref<2560x1x128xi32, #tpu.memory_space<hbm>> -> memref<1x1x128xi32, #tpu.memory_space<hbm>>
    %dma_start3A_43 = tpu.memref_squeeze %dma_start3A_42 : memref<1x1x128xi32, #tpu.memory_space<hbm>> -> memref<1x128xi32, #tpu.memory_space<hbm>>
    tpu.enqueue_dma source(%dma_start3A_43 : memref<1x128xi32, #tpu.memory_space<hbm>>) target(%dma_start3A_39 : memref<1x128xi32, #tpu.memory_space<vmem>>) target_semaphore(%arg15 : memref<!tpu.dma_semaphore, #tpu.memory_space<semaphore_mem>>)
    %dma_start3A_44 = arith.constant 0 : i32
    %dma_start3A_45 = arith.constant 0 : i32
    %dma_start3A_46 = tpu.memref_slice %arg7[%dma_start3A_44, %dma_start3A_45] : memref<80x128xi32, #tpu.memory_space<vmem>> -> memref<1x128xi32, #tpu.memory_space<vmem>>
    %dma_start3A_47 = tpu.memref_squeeze %dma_start3A_46 : memref<1x128xi32, #tpu.memory_space<vmem>> -> memref<128xi32, #tpu.memory_space<vmem>>
    %dma_start3A_48 = arith.constant 0 : i32
    %dma_start3A_49 = arith.constant 0 : i32
    %dma_start3A_50 = tpu.memref_slice %arg2[%dma_start3A_48, %dma_start3A_49] : memref<10112x128xf32, #tpu.memory_space<hbm>> -> memref<10112x128xf32, #tpu.memory_space<hbm>>
    tpu.enqueue_indirect_dma source(%dma_start3A_50 : memref<10112x128xf32, #tpu.memory_space<hbm>>) target(%arg10 : memref<128x128xf32, #tpu.memory_space<vmem>>) offsets(%dma_start3A_47 : memref<128xi32, #tpu.memory_space<vmem>>) semaphore(%arg12 : memref<!tpu.dma_semaphore, #tpu.memory_space<semaphore_mem>>)
    %scan3A = arith.constant 0 : i32
    %scan3A_51 = arith.constant 40 : i32
    %scan3A_52 = arith.addi %scan3A, %scan3A_51 : i32
    %scan3A_53 = arith.constant 1 : i32
    scf.for %scan3A_60 = %scan3A to %scan3A_52 step %scan3A_53  : i32 {
      %mul3A_61 = arith.constant 2 : i32
      %mul3A_62 = arith.muli %scan3A_60, %mul3A_61 : i32
      %add3A_63 = arith.constant 0 : i32
      %add3A_64 = arith.addi %mul3A_62, %add3A_63 : i32
      %dma_wait3A = arith.constant 0 : i32
      %dma_wait3A_65 = tpu.memref_slice %arg7[%add3A_64, %dma_wait3A] : memref<80x128xi32, #tpu.memory_space<vmem>> -> memref<1x128xi32, #tpu.memory_space<vmem>>
      %dma_wait3A_66 = tpu.memref_squeeze %dma_wait3A_65 : memref<1x128xi32, #tpu.memory_space<vmem>> -> memref<128xi32, #tpu.memory_space<vmem>>
      %dma_wait3A_67 = arith.constant 0 : i32
      %dma_wait3A_68 = arith.constant 0 : i32
      %dma_wait3A_69 = tpu.memref_slice %arg2[%dma_wait3A_67, %dma_wait3A_68] : memref<10112x128xf32, #tpu.memory_space<hbm>> -> memref<10112x128xf32, #tpu.memory_space<hbm>>
      tpu.wait_indirect_dma semaphore(%arg12 : memref<!tpu.dma_semaphore, #tpu.memory_space<semaphore_mem>>) src(%dma_wait3A_69 : memref<10112x128xf32, #tpu.memory_space<hbm>>) dst(%arg10 : memref<128x128xf32, #tpu.memory_space<vmem>>)
      %add3A_70 = arith.constant 1 : i32
      %add3A_71 = arith.addi %add3A_64, %add3A_70 : i32
      %lt3A = arith.constant 80 : i32
      %lt3A_72 = arith.cmpi slt, %add3A_71, %lt3A : i32
      %convert_element_type3A = arith.extui %lt3A_72 : i1 to i32
      %cond3A = arith.constant 0 : i32
      %cond3A_73 = arith.cmpi ne, %convert_element_type3A, %cond3A : i32
      scf.if %cond3A_73 {
        %add3A_144 = arith.constant 1 : i32
        %add3A_145 = arith.addi %add3A_64, %add3A_144 : i32
        %dma_start3A_146 = arith.constant 0 : i32
        %dma_start3A_147 = tpu.memref_slice %arg7[%add3A_145, %dma_start3A_146] : memref<80x128xi32, #tpu.memory_space<vmem>> -> memref<1x128xi32, #tpu.memory_space<vmem>>
        %dma_start3A_148 = tpu.memref_squeeze %dma_start3A_147 : memref<1x128xi32, #tpu.memory_space<vmem>> -> memref<128xi32, #tpu.memory_space<vmem>>
        %dma_start3A_149 = arith.constant 0 : i32
        %dma_start3A_150 = arith.constant 0 : i32
        %dma_start3A_151 = tpu.memref_slice %arg2[%dma_start3A_149, %dma_start3A_150] : memref<10112x128xf32, #tpu.memory_space<hbm>> -> memref<10112x128xf32, #tpu.memory_space<hbm>>
        tpu.enqueue_indirect_dma source(%dma_start3A_151 : memref<10112x128xf32, #tpu.memory_space<hbm>>) target(%arg11 : memref<128x128xf32, #tpu.memory_space<vmem>>) offsets(%dma_start3A_148 : memref<128xi32, #tpu.memory_space<vmem>>) semaphore(%arg13 : memref<!tpu.dma_semaphore, #tpu.memory_space<semaphore_mem>>)
      } else {
      }
      %dma_wait3A_74 = arith.constant 0 : i32
      %dma_wait3A_75 = arith.constant 0 : i32
      %dma_wait3A_76 = arith.constant 0 : i32
      %dma_wait3A_77 = arith.constant 0 : i32
      %dma_wait3A_78 = tpu.memref_slice %arg8[%dma_wait3A_75, %dma_wait3A_76, %dma_wait3A_77] : memref<2x1x128xi32, #tpu.memory_space<vmem>> -> memref<1x1x128xi32, #tpu.memory_space<vmem>>
      %dma_wait3A_79 = tpu.memref_squeeze %dma_wait3A_78 : memref<1x1x128xi32, #tpu.memory_space<vmem>> -> memref<1x128xi32, #tpu.memory_space<vmem>>
      %dma_wait3A_80 = arith.constant 0 : i32
      %dma_wait3A_81 = arith.constant 0 : i32
      %dma_wait3A_82 = tpu.memref_slice %arg4[%dma_wait3A_74, %dma_wait3A_80, %dma_wait3A_81] : memref<2560x1x128xi32, #tpu.memory_space<hbm>> -> memref<1x1x128xi32, #tpu.memory_space<hbm>>
      %dma_wait3A_83 = tpu.memref_squeeze %dma_wait3A_82 : memref<1x1x128xi32, #tpu.memory_space<hbm>> -> memref<1x128xi32, #tpu.memory_space<hbm>>
      %dma_wait3A_84 = arith.constant 0 : i32
      %dma_wait3A_85 = arith.constant 0 : i32
      %dma_wait3A_86 = tpu.memref_slice %arg8[%dma_wait3A_75, %dma_wait3A_84, %dma_wait3A_85] : memref<2x1x128xi32, #tpu.memory_space<vmem>> -> memref<1x1x128xi32, #tpu.memory_space<vmem>>
      %dma_wait3A_87 = tpu.memref_squeeze %dma_wait3A_86 : memref<1x1x128xi32, #tpu.memory_space<vmem>> -> memref<1x128xi32, #tpu.memory_space<vmem>>
      %dma_wait3A_88 = arith.constant 0 : i32
      %dma_wait3A_89 = arith.constant 0 : i32
      %dma_wait3A_90 = tpu.memref_slice %arg4[%dma_wait3A_74, %dma_wait3A_88, %dma_wait3A_89] : memref<2560x1x128xi32, #tpu.memory_space<hbm>> -> memref<1x1x128xi32, #tpu.memory_space<hbm>>
      %dma_wait3A_91 = tpu.memref_squeeze %dma_wait3A_90 : memref<1x1x128xi32, #tpu.memory_space<hbm>> -> memref<1x128xi32, #tpu.memory_space<hbm>>
      tpu.wait_dma2 semaphore(%arg14 : memref<!tpu.dma_semaphore, #tpu.memory_space<semaphore_mem>>) src(%dma_wait3A_91 : memref<1x128xi32, #tpu.memory_space<hbm>>) dst(%dma_wait3A_87 : memref<1x128xi32, #tpu.memory_space<vmem>>)
      %run_scoped3A = arith.constant 0 : i32
      %run_scoped3A_92 = arith.constant 0 : i32
      "tpu.region"() ({
        %run_scoped3A_144 = tpu.sem_alloc : memref<!tpu.dma_semaphore, #tpu.memory_space<semaphore_mem>>
        %dma_start3A_145 = arith.constant 0 : i32
        %dma_start3A_146 = tpu.memref_slice %arg8[%run_scoped3A, %run_scoped3A_92, %dma_start3A_145] : memref<2x1x128xi32, #tpu.memory_space<vmem>> -> memref<1x1x128xi32, #tpu.memory_space<vmem>>
        %dma_start3A_147 = tpu.memref_squeeze %dma_start3A_146 : memref<1x1x128xi32, #tpu.memory_space<vmem>> -> memref<128xi32, #tpu.memory_space<vmem>>
        %dma_start3A_148 = arith.constant 0 : i32
        %dma_start3A_149 = arith.constant 0 : i32
        %dma_start3A_150 = tpu.memref_slice %arg9[%dma_start3A_148, %dma_start3A_149] : memref<10112x128xf32, #tpu.memory_space<vmem_shared>> -> memref<10112x128xf32, #tpu.memory_space<vmem_shared>>
        tpu.enqueue_indirect_dma source(%arg10 : memref<128x128xf32, #tpu.memory_space<vmem>>) target(%dma_start3A_150 : memref<10112x128xf32, #tpu.memory_space<vmem_shared>>) offsets(%dma_start3A_147 : memref<128xi32, #tpu.memory_space<vmem>>) semaphore(%run_scoped3A_144 : memref<!tpu.dma_semaphore, #tpu.memory_space<semaphore_mem>>) {add = true}
        %dma_wait3A_151 = arith.constant 0 : i32
        %dma_wait3A_152 = tpu.memref_slice %arg8[%run_scoped3A, %run_scoped3A_92, %dma_wait3A_151] : memref<2x1x128xi32, #tpu.memory_space<vmem>> -> memref<1x1x128xi32, #tpu.memory_space<vmem>>
        %dma_wait3A_153 = tpu.memref_squeeze %dma_wait3A_152 : memref<1x1x128xi32, #tpu.memory_space<vmem>> -> memref<128xi32, #tpu.memory_space<vmem>>
        %dma_wait3A_154 = arith.constant 0 : i32
        %dma_wait3A_155 = arith.constant 0 : i32
        %dma_wait3A_156 = tpu.memref_slice %arg9[%dma_wait3A_154, %dma_wait3A_155] : memref<10112x128xf32, #tpu.memory_space<vmem_shared>> -> memref<10112x128xf32, #tpu.memory_space<vmem_shared>>
        tpu.wait_indirect_dma semaphore(%run_scoped3A_144 : memref<!tpu.dma_semaphore, #tpu.memory_space<semaphore_mem>>) src(%arg10 : memref<128x128xf32, #tpu.memory_space<vmem>>) dst(%dma_wait3A_156 : memref<10112x128xf32, #tpu.memory_space<vmem_shared>>)
        tpu.yield
      }) : () -> ()
      %add3A_93 = arith.constant 2 : i32
      %add3A_94 = arith.addi %add3A_64, %add3A_93 : i32
      %lt3A_95 = arith.constant 80 : i32
      %lt3A_96 = arith.cmpi slt, %add3A_94, %lt3A_95 : i32
      %convert_element_type3A_97 = arith.extui %lt3A_96 : i1 to i32
      %cond3A_98 = arith.constant 0 : i32
      %cond3A_99 = arith.cmpi ne, %convert_element_type3A_97, %cond3A_98 : i32
      scf.if %cond3A_99 {
        %add3A_144 = arith.constant 2 : i32
        %add3A_145 = arith.addi %add3A_64, %add3A_144 : i32
        %mul3A_146 = arith.constant 80 : i32
        %mul3A_147 = arith.muli %add3A, %mul3A_146 : i32
        %add3A_148 = arith.addi %mul3A_147, %add3A_145 : i32
        %dma_start3A_149 = arith.constant 0 : i32
        %dma_start3A_150 = arith.constant 0 : i32
        %dma_start3A_151 = arith.constant 0 : i32
        %dma_start3A_152 = tpu.memref_slice %arg8[%dma_start3A_149, %dma_start3A_150, %dma_start3A_151] : memref<2x1x128xi32, #tpu.memory_space<vmem>> -> memref<1x1x128xi32, #tpu.memory_space<vmem>>
        %dma_start3A_153 = tpu.memref_squeeze %dma_start3A_152 : memref<1x1x128xi32, #tpu.memory_space<vmem>> -> memref<1x128xi32, #tpu.memory_space<vmem>>
        %dma_start3A_154 = arith.constant 0 : i32
        %dma_start3A_155 = arith.constant 0 : i32
        %dma_start3A_156 = tpu.memref_slice %arg4[%add3A_148, %dma_start3A_154, %dma_start3A_155] : memref<2560x1x128xi32, #tpu.memory_space<hbm>> -> memref<1x1x128xi32, #tpu.memory_space<hbm>>
        %dma_start3A_157 = tpu.memref_squeeze %dma_start3A_156 : memref<1x1x128xi32, #tpu.memory_space<hbm>> -> memref<1x128xi32, #tpu.memory_space<hbm>>
        %dma_start3A_158 = arith.constant 0 : i32
        %dma_start3A_159 = arith.constant 0 : i32
        %dma_start3A_160 = tpu.memref_slice %arg8[%dma_start3A_149, %dma_start3A_158, %dma_start3A_159] : memref<2x1x128xi32, #tpu.memory_space<vmem>> -> memref<1x1x128xi32, #tpu.memory_space<vmem>>
        %dma_start3A_161 = tpu.memref_squeeze %dma_start3A_160 : memref<1x1x128xi32, #tpu.memory_space<vmem>> -> memref<1x128xi32, #tpu.memory_space<vmem>>
        %dma_start3A_162 = arith.constant 0 : i32
        %dma_start3A_163 = arith.constant 0 : i32
        %dma_start3A_164 = tpu.memref_slice %arg4[%add3A_148, %dma_start3A_162, %dma_start3A_163] : memref<2560x1x128xi32, #tpu.memory_space<hbm>> -> memref<1x1x128xi32, #tpu.memory_space<hbm>>
        %dma_start3A_165 = tpu.memref_squeeze %dma_start3A_164 : memref<1x1x128xi32, #tpu.memory_space<hbm>> -> memref<1x128xi32, #tpu.memory_space<hbm>>
        tpu.enqueue_dma source(%dma_start3A_165 : memref<1x128xi32, #tpu.memory_space<hbm>>) target(%dma_start3A_161 : memref<1x128xi32, #tpu.memory_space<vmem>>) target_semaphore(%arg14 : memref<!tpu.dma_semaphore, #tpu.memory_space<semaphore_mem>>)
      } else {
      }
      %mul3A_100 = arith.constant 2 : i32
      %mul3A_101 = arith.muli %scan3A_60, %mul3A_100 : i32
      %add3A_102 = arith.constant 1 : i32
      %add3A_103 = arith.addi %mul3A_101, %add3A_102 : i32
      %dma_wait3A_104 = arith.constant 0 : i32
      %dma_wait3A_105 = tpu.memref_slice %arg7[%add3A_103, %dma_wait3A_104] : memref<80x128xi32, #tpu.memory_space<vmem>> -> memref<1x128xi32, #tpu.memory_space<vmem>>
      %dma_wait3A_106 = tpu.memref_squeeze %dma_wait3A_105 : memref<1x128xi32, #tpu.memory_space<vmem>> -> memref<128xi32, #tpu.memory_space<vmem>>
      %dma_wait3A_107 = arith.constant 0 : i32
      %dma_wait3A_108 = arith.constant 0 : i32
      %dma_wait3A_109 = tpu.memref_slice %arg2[%dma_wait3A_107, %dma_wait3A_108] : memref<10112x128xf32, #tpu.memory_space<hbm>> -> memref<10112x128xf32, #tpu.memory_space<hbm>>
      tpu.wait_indirect_dma semaphore(%arg13 : memref<!tpu.dma_semaphore, #tpu.memory_space<semaphore_mem>>) src(%dma_wait3A_109 : memref<10112x128xf32, #tpu.memory_space<hbm>>) dst(%arg11 : memref<128x128xf32, #tpu.memory_space<vmem>>)
      %add3A_110 = arith.constant 1 : i32
      %add3A_111 = arith.addi %add3A_103, %add3A_110 : i32
      %lt3A_112 = arith.constant 80 : i32
      %lt3A_113 = arith.cmpi slt, %add3A_111, %lt3A_112 : i32
      %convert_element_type3A_114 = arith.extui %lt3A_113 : i1 to i32
      %cond3A_115 = arith.constant 0 : i32
      %cond3A_116 = arith.cmpi ne, %convert_element_type3A_114, %cond3A_115 : i32
      scf.if %cond3A_116 {
        %add3A_144 = arith.constant 1 : i32
        %add3A_145 = arith.addi %add3A_103, %add3A_144 : i32
        %dma_start3A_146 = arith.constant 0 : i32
        %dma_start3A_147 = tpu.memref_slice %arg7[%add3A_145, %dma_start3A_146] : memref<80x128xi32, #tpu.memory_space<vmem>> -> memref<1x128xi32, #tpu.memory_space<vmem>>
        %dma_start3A_148 = tpu.memref_squeeze %dma_start3A_147 : memref<1x128xi32, #tpu.memory_space<vmem>> -> memref<128xi32, #tpu.memory_space<vmem>>
        %dma_start3A_149 = arith.constant 0 : i32
        %dma_start3A_150 = arith.constant 0 : i32
        %dma_start3A_151 = tpu.memref_slice %arg2[%dma_start3A_149, %dma_start3A_150] : memref<10112x128xf32, #tpu.memory_space<hbm>> -> memref<10112x128xf32, #tpu.memory_space<hbm>>
        tpu.enqueue_indirect_dma source(%dma_start3A_151 : memref<10112x128xf32, #tpu.memory_space<hbm>>) target(%arg10 : memref<128x128xf32, #tpu.memory_space<vmem>>) offsets(%dma_start3A_148 : memref<128xi32, #tpu.memory_space<vmem>>) semaphore(%arg12 : memref<!tpu.dma_semaphore, #tpu.memory_space<semaphore_mem>>)
      } else {
      }
      %dma_wait3A_117 = arith.constant 0 : i32
      %dma_wait3A_118 = arith.constant 1 : i32
      %dma_wait3A_119 = arith.constant 0 : i32
      %dma_wait3A_120 = arith.constant 0 : i32
      %dma_wait3A_121 = tpu.memref_slice %arg8[%dma_wait3A_118, %dma_wait3A_119, %dma_wait3A_120] : memref<2x1x128xi32, #tpu.memory_space<vmem>> -> memref<1x1x128xi32, #tpu.memory_space<vmem>>
      %dma_wait3A_122 = tpu.memref_squeeze %dma_wait3A_121 : memref<1x1x128xi32, #tpu.memory_space<vmem>> -> memref<1x128xi32, #tpu.memory_space<vmem>>
      %dma_wait3A_123 = arith.constant 0 : i32
      %dma_wait3A_124 = arith.constant 0 : i32
      %dma_wait3A_125 = tpu.memref_slice %arg4[%dma_wait3A_117, %dma_wait3A_123, %dma_wait3A_124] : memref<2560x1x128xi32, #tpu.memory_space<hbm>> -> memref<1x1x128xi32, #tpu.memory_space<hbm>>
      %dma_wait3A_126 = tpu.memref_squeeze %dma_wait3A_125 : memref<1x1x128xi32, #tpu.memory_space<hbm>> -> memref<1x128xi32, #tpu.memory_space<hbm>>
      %dma_wait3A_127 = arith.constant 0 : i32
      %dma_wait3A_128 = arith.constant 0 : i32
      %dma_wait3A_129 = tpu.memref_slice %arg8[%dma_wait3A_118, %dma_wait3A_127, %dma_wait3A_128] : memref<2x1x128xi32, #tpu.memory_space<vmem>> -> memref<1x1x128xi32, #tpu.memory_space<vmem>>
      %dma_wait3A_130 = tpu.memref_squeeze %dma_wait3A_129 : memref<1x1x128xi32, #tpu.memory_space<vmem>> -> memref<1x128xi32, #tpu.memory_space<vmem>>
      %dma_wait3A_131 = arith.constant 0 : i32
      %dma_wait3A_132 = arith.constant 0 : i32
      %dma_wait3A_133 = tpu.memref_slice %arg4[%dma_wait3A_117, %dma_wait3A_131, %dma_wait3A_132] : memref<2560x1x128xi32, #tpu.memory_space<hbm>> -> memref<1x1x128xi32, #tpu.memory_space<hbm>>
      %dma_wait3A_134 = tpu.memref_squeeze %dma_wait3A_133 : memref<1x1x128xi32, #tpu.memory_space<hbm>> -> memref<1x128xi32, #tpu.memory_space<hbm>>
      tpu.wait_dma2 semaphore(%arg15 : memref<!tpu.dma_semaphore, #tpu.memory_space<semaphore_mem>>) src(%dma_wait3A_134 : memref<1x128xi32, #tpu.memory_space<hbm>>) dst(%dma_wait3A_130 : memref<1x128xi32, #tpu.memory_space<vmem>>)
      %run_scoped3A_135 = arith.constant 1 : i32
      %run_scoped3A_136 = arith.constant 0 : i32
      "tpu.region"() ({
        %run_scoped3A_144 = tpu.sem_alloc : memref<!tpu.dma_semaphore, #tpu.memory_space<semaphore_mem>>
        %dma_start3A_145 = arith.constant 0 : i32
        %dma_start3A_146 = tpu.memref_slice %arg8[%run_scoped3A_135, %run_scoped3A_136, %dma_start3A_145] : memref<2x1x128xi32, #tpu.memory_space<vmem>> -> memref<1x1x128xi32, #tpu.memory_space<vmem>>
        %dma_start3A_147 = tpu.memref_squeeze %dma_start3A_146 : memref<1x1x128xi32, #tpu.memory_space<vmem>> -> memref<128xi32, #tpu.memory_space<vmem>>
        %dma_start3A_148 = arith.constant 0 : i32
        %dma_start3A_149 = arith.constant 0 : i32
        %dma_start3A_150 = tpu.memref_slice %arg9[%dma_start3A_148, %dma_start3A_149] : memref<10112x128xf32, #tpu.memory_space<vmem_shared>> -> memref<10112x128xf32, #tpu.memory_space<vmem_shared>>
        tpu.enqueue_indirect_dma source(%arg11 : memref<128x128xf32, #tpu.memory_space<vmem>>) target(%dma_start3A_150 : memref<10112x128xf32, #tpu.memory_space<vmem_shared>>) offsets(%dma_start3A_147 : memref<128xi32, #tpu.memory_space<vmem>>) semaphore(%run_scoped3A_144 : memref<!tpu.dma_semaphore, #tpu.memory_space<semaphore_mem>>) {add = true}
        %dma_wait3A_151 = arith.constant 0 : i32
        %dma_wait3A_152 = tpu.memref_slice %arg8[%run_scoped3A_135, %run_scoped3A_136, %dma_wait3A_151] : memref<2x1x128xi32, #tpu.memory_space<vmem>> -> memref<1x1x128xi32, #tpu.memory_space<vmem>>
        %dma_wait3A_153 = tpu.memref_squeeze %dma_wait3A_152 : memref<1x1x128xi32, #tpu.memory_space<vmem>> -> memref<128xi32, #tpu.memory_space<vmem>>
        %dma_wait3A_154 = arith.constant 0 : i32
        %dma_wait3A_155 = arith.constant 0 : i32
        %dma_wait3A_156 = tpu.memref_slice %arg9[%dma_wait3A_154, %dma_wait3A_155] : memref<10112x128xf32, #tpu.memory_space<vmem_shared>> -> memref<10112x128xf32, #tpu.memory_space<vmem_shared>>
        tpu.wait_indirect_dma semaphore(%run_scoped3A_144 : memref<!tpu.dma_semaphore, #tpu.memory_space<semaphore_mem>>) src(%arg11 : memref<128x128xf32, #tpu.memory_space<vmem>>) dst(%dma_wait3A_156 : memref<10112x128xf32, #tpu.memory_space<vmem_shared>>)
        tpu.yield
      }) : () -> ()
      %add3A_137 = arith.constant 2 : i32
      %add3A_138 = arith.addi %add3A_103, %add3A_137 : i32
      %lt3A_139 = arith.constant 80 : i32
      %lt3A_140 = arith.cmpi slt, %add3A_138, %lt3A_139 : i32
      %convert_element_type3A_141 = arith.extui %lt3A_140 : i1 to i32
      %cond3A_142 = arith.constant 0 : i32
      %cond3A_143 = arith.cmpi ne, %convert_element_type3A_141, %cond3A_142 : i32
      scf.if %cond3A_143 {
        %add3A_144 = arith.constant 2 : i32
        %add3A_145 = arith.addi %add3A_103, %add3A_144 : i32
        %mul3A_146 = arith.constant 80 : i32
        %mul3A_147 = arith.muli %add3A, %mul3A_146 : i32
        %add3A_148 = arith.addi %mul3A_147, %add3A_145 : i32
        %dma_start3A_149 = arith.constant 1 : i32
        %dma_start3A_150 = arith.constant 0 : i32
        %dma_start3A_151 = arith.constant 0 : i32
        %dma_start3A_152 = tpu.memref_slice %arg8[%dma_start3A_149, %dma_start3A_150, %dma_start3A_151] : memref<2x1x128xi32, #tpu.memory_space<vmem>> -> memref<1x1x128xi32, #tpu.memory_space<vmem>>
        %dma_start3A_153 = tpu.memref_squeeze %dma_start3A_152 : memref<1x1x128xi32, #tpu.memory_space<vmem>> -> memref<1x128xi32, #tpu.memory_space<vmem>>
        %dma_start3A_154 = arith.constant 0 : i32
        %dma_start3A_155 = arith.constant 0 : i32
        %dma_start3A_156 = tpu.memref_slice %arg4[%add3A_148, %dma_start3A_154, %dma_start3A_155] : memref<2560x1x128xi32, #tpu.memory_space<hbm>> -> memref<1x1x128xi32, #tpu.memory_space<hbm>>
        %dma_start3A_157 = tpu.memref_squeeze %dma_start3A_156 : memref<1x1x128xi32, #tpu.memory_space<hbm>> -> memref<1x128xi32, #tpu.memory_space<hbm>>
        %dma_start3A_158 = arith.constant 0 : i32
        %dma_start3A_159 = arith.constant 0 : i32
        %dma_start3A_160 = tpu.memref_slice %arg8[%dma_start3A_149, %dma_start3A_158, %dma_start3A_159] : memref<2x1x128xi32, #tpu.memory_space<vmem>> -> memref<1x1x128xi32, #tpu.memory_space<vmem>>
        %dma_start3A_161 = tpu.memref_squeeze %dma_start3A_160 : memref<1x1x128xi32, #tpu.memory_space<vmem>> -> memref<1x128xi32, #tpu.memory_space<vmem>>
        %dma_start3A_162 = arith.constant 0 : i32
        %dma_start3A_163 = arith.constant 0 : i32
        %dma_start3A_164 = tpu.memref_slice %arg4[%add3A_148, %dma_start3A_162, %dma_start3A_163] : memref<2560x1x128xi32, #tpu.memory_space<hbm>> -> memref<1x1x128xi32, #tpu.memory_space<hbm>>
        %dma_start3A_165 = tpu.memref_squeeze %dma_start3A_164 : memref<1x1x128xi32, #tpu.memory_space<hbm>> -> memref<1x128xi32, #tpu.memory_space<hbm>>
        tpu.enqueue_dma source(%dma_start3A_165 : memref<1x128xi32, #tpu.memory_space<hbm>>) target(%dma_start3A_161 : memref<1x128xi32, #tpu.memory_space<vmem>>) target_semaphore(%arg15 : memref<!tpu.dma_semaphore, #tpu.memory_space<semaphore_mem>>)
      } else {
      }
    }
    %scan3A_54 = arith.constant 40 : i32
    %barrier3A_55 = arith.constant 0 : index
    tpu.barrier barrier_id(%barrier3A_55)
    %mul3A_56 = arith.constant 632 : i32
    %mul3A_57 = arith.muli %arg1, %mul3A_56 : i32
    %mul3A_58 = arith.constant 632 : i32
    %mul3A_59 = arith.muli %arg1, %mul3A_58 : i32
    "tpu.region"() ({
      %run_scoped3A = tpu.sem_alloc : memref<!tpu.dma_semaphore, #tpu.memory_space<semaphore_mem>>
      %dma_start3A_60 = arith.constant 0 : i32
      %dma_start3A_61 = tpu.memref_slice %arg6[%arg0, %mul3A_59, %dma_start3A_60] : memref<2x10112x128xf32, #tpu.memory_space<hbm>> -> memref<1x632x128xf32, #tpu.memory_space<hbm>>
      %dma_start3A_62 = tpu.memref_squeeze %dma_start3A_61 : memref<1x632x128xf32, #tpu.memory_space<hbm>> -> memref<632x128xf32, #tpu.memory_space<hbm>>
      %dma_start3A_63 = arith.constant 0 : i32
      %dma_start3A_64 = tpu.memref_slice %arg9[%mul3A_57, %dma_start3A_63] : memref<10112x128xf32, #tpu.memory_space<vmem_shared>> -> memref<632x128xf32, #tpu.memory_space<vmem_shared>>
      tpu.enqueue_dma source(%dma_start3A_64 : memref<632x128xf32, #tpu.memory_space<vmem_shared>>) target(%dma_start3A_62 : memref<632x128xf32, #tpu.memory_space<hbm>>) target_semaphore(%run_scoped3A : memref<!tpu.dma_semaphore, #tpu.memory_space<semaphore_mem>>)
      %dma_wait3A = arith.constant 0 : i32
      %dma_wait3A_65 = tpu.memref_slice %arg6[%arg0, %mul3A_59, %dma_wait3A] : memref<2x10112x128xf32, #tpu.memory_space<hbm>> -> memref<1x632x128xf32, #tpu.memory_space<hbm>>
      %dma_wait3A_66 = tpu.memref_squeeze %dma_wait3A_65 : memref<1x632x128xf32, #tpu.memory_space<hbm>> -> memref<632x128xf32, #tpu.memory_space<hbm>>
      %dma_wait3A_67 = arith.constant 0 : i32
      %dma_wait3A_68 = tpu.memref_slice %arg9[%mul3A_57, %dma_wait3A_67] : memref<10112x128xf32, #tpu.memory_space<vmem_shared>> -> memref<632x128xf32, #tpu.memory_space<vmem_shared>>
      tpu.wait_dma2 semaphore(%run_scoped3A : memref<!tpu.dma_semaphore, #tpu.memory_space<semaphore_mem>>) src(%dma_wait3A_68 : memref<632x128xf32, #tpu.memory_space<vmem_shared>>) dst(%dma_wait3A_66 : memref<632x128xf32, #tpu.memory_space<hbm>>)
      tpu.yield
    }) : () -> ()
    return
  }
}

module attributes {stable_mosaic.version = 14 : i64} {
  func.func @_tc_dense_body(%arg0: i32, %arg1: memref<2528x128xf32, #tpu.memory_space<vmem>>, %arg2: memref<2528x128xf32, #tpu.memory_space<vmem>>, %arg3: memref<2528x128xf32, #tpu.memory_space<vmem>>, %arg4: memref<2528x128xf32, #tpu.memory_space<vmem>>, %arg5: memref<128x384xf32, #tpu.memory_space<vmem>>, %arg6: memref<128x384xf32, #tpu.memory_space<vmem>>, %arg7: memref<2528x128xf32, #tpu.memory_space<vmem>>) attributes {dimension_semantics = [#tpu.dimension_semantics<arbitrary>], iteration_bounds = array<i64: 4>, scalar_prefetch = 0 : i64, scratch_operands = 0 : i64, tpu.core_type = #tpu.core_type<tc>, window_params = [{transform_indices = @transform_0, window_bounds = array<i64: 2528, 128>}, {transform_indices = @transform_1, window_bounds = array<i64: 2528, 128>}, {transform_indices = @transform_2, window_bounds = array<i64: 2528, 128>}, {transform_indices = @transform_3, window_bounds = array<i64: 2528, 128>}, {pipeline_mode = #tpu.pipeline_mode<synchronous>, transform_indices = @transform_4, window_bounds = array<i64: 128, 384>}, {pipeline_mode = #tpu.pipeline_mode<synchronous>, transform_indices = @transform_5, window_bounds = array<i64: 128, 384>}, {transform_indices = @transform_6, window_bounds = array<i64: 2528, 128>}]} {
    %get3A = arith.constant 0 : index
    %get3A_0 = arith.constant 0 : index
    %get3A_1 = vector.load %arg1[%get3A, %get3A_0] : memref<2528x128xf32, #tpu.memory_space<vmem>>, vector<2528x128xf32>
    %get3A_2 = arith.constant 0 : index
    %get3A_3 = arith.constant 0 : index
    %get3A_4 = vector.load %arg2[%get3A_2, %get3A_3] : memref<2528x128xf32, #tpu.memory_space<vmem>>, vector<2528x128xf32>
    %add3A = arith.addf %get3A_1, %get3A_4 : vector<2528x128xf32>
    %get3A_5 = arith.constant 0 : index
    %get3A_6 = arith.constant 0 : index
    %get3A_7 = vector.load %arg3[%get3A_5, %get3A_6] : memref<2528x128xf32, #tpu.memory_space<vmem>>, vector<2528x128xf32>
    %get3A_8 = arith.constant 0 : index
    %get3A_9 = arith.constant 0 : index
    %get3A_10 = vector.load %arg4[%get3A_8, %get3A_9] : memref<2528x128xf32, #tpu.memory_space<vmem>>, vector<2528x128xf32>
    %add3A_11 = arith.addf %get3A_7, %get3A_10 : vector<2528x128xf32>
    %get3A_12 = arith.constant 0 : index
    %get3A_13 = arith.constant 0 : index
    %get3A_14 = vector.load %arg5[%get3A_12, %get3A_13] : memref<128x384xf32, #tpu.memory_space<vmem>>, vector<128x384xf32>
    %dot_general3A = arith.constant dense<0.000000e+00> : vector<2528x384xf32>
    %dot_general3A_15 = tpu.matmul %add3A, %get3A_14, %dot_general3A {dimension_numbers = #tpu.dot_dimension_numbers<[1], [0], [0], [1], [0, 0, 1, 1], [], []>, transpose_lhs_hint = false} : vector<2528x128xf32>, vector<128x384xf32>, vector<2528x384xf32> -> vector<2528x384xf32>
    %get3A_16 = arith.constant 0 : index
    %get3A_17 = arith.constant 0 : index
    %get3A_18 = vector.load %arg6[%get3A_16, %get3A_17] : memref<128x384xf32, #tpu.memory_space<vmem>>, vector<128x384xf32>
    %dot_general3A_19 = arith.constant dense<0.000000e+00> : vector<2528x384xf32>
    %dot_general3A_20 = tpu.matmul %add3A_11, %get3A_18, %dot_general3A_19 {dimension_numbers = #tpu.dot_dimension_numbers<[1], [0], [0], [1], [0, 0, 1, 1], [], []>, transpose_lhs_hint = false} : vector<2528x128xf32>, vector<128x384xf32>, vector<2528x384xf32> -> vector<2528x384xf32>
    %add3A_21 = arith.addf %dot_general3A_15, %dot_general3A_20 : vector<2528x384xf32>
    %max3A = arith.constant 0.000000e+00 : f32
    %max3A_22 = vector.broadcast %max3A : f32 to vector<2528x384xf32>
    %max3A_23 = arith.maximumf %add3A_21, %max3A_22 : vector<2528x384xf32>
    %slice3A = vector.extract_strided_slice %max3A_23 {offsets = [0, 0], sizes = [2528, 128], strides = [1, 1]} : vector<2528x384xf32> to vector<2528x128xf32>
    %logistic3A = arith.negf %slice3A : vector<2528x128xf32>
    %logistic3A_24 = math.exp %logistic3A : vector<2528x128xf32>
    %logistic3A_25 = arith.constant 1.000000e+00 : f32
    %logistic3A_26 = vector.broadcast %logistic3A_25 : f32 to vector<2528x128xf32>
    %logistic3A_27 = arith.addf %logistic3A_26, %logistic3A_24 : vector<2528x128xf32>
    %logistic3A_28 = arith.divf %logistic3A_26, %logistic3A_27 : vector<2528x128xf32>
    %slice3A_29 = vector.extract_strided_slice %max3A_23 {offsets = [0, 128], sizes = [2528, 128], strides = [1, 1]} : vector<2528x384xf32> to vector<2528x128xf32>
    %tanh3A = math.tanh %slice3A_29 : vector<2528x128xf32>
    %slice3A_30 = vector.extract_strided_slice %max3A_23 {offsets = [0, 256], sizes = [2528, 128], strides = [1, 1]} : vector<2528x384xf32> to vector<2528x128xf32>
    %logistic3A_31 = arith.negf %slice3A_30 : vector<2528x128xf32>
    %logistic3A_32 = math.exp %logistic3A_31 : vector<2528x128xf32>
    %logistic3A_33 = arith.constant 1.000000e+00 : f32
    %logistic3A_34 = vector.broadcast %logistic3A_33 : f32 to vector<2528x128xf32>
    %logistic3A_35 = arith.addf %logistic3A_34, %logistic3A_32 : vector<2528x128xf32>
    %logistic3A_36 = arith.divf %logistic3A_34, %logistic3A_35 : vector<2528x128xf32>
    %mul3A = arith.mulf %logistic3A_28, %tanh3A : vector<2528x128xf32>
    %tanh3A_37 = math.tanh %mul3A : vector<2528x128xf32>
    %mul3A_38 = arith.mulf %logistic3A_36, %tanh3A_37 : vector<2528x128xf32>
    %swap3A = arith.constant 0 : index
    %swap3A_39 = arith.constant 0 : index
    %swap3A_40 = vector.load %arg7[%swap3A, %swap3A_39] : memref<2528x128xf32, #tpu.memory_space<vmem>>, vector<2528x128xf32>
    tpu.vector_store %arg7[%swap3A, %swap3A_39], %mul3A_38 {strides = array<i32>} : memref<2528x128xf32, #tpu.memory_space<vmem>>, vector<2528x128xf32>,
    return
  }
  func.func @transform_0(%arg0: i32) -> (i32, i32) {
    %c0_i32 = arith.constant 0 : i32
    %c0_i32_0 = arith.constant 0 : i32
    return %arg0, %c0_i32 : i32, i32
  }
  func.func @transform_1(%arg0: i32) -> (i32, i32) {
    %c0_i32 = arith.constant 0 : i32
    %c0_i32_0 = arith.constant 0 : i32
    return %arg0, %c0_i32 : i32, i32
  }
  func.func @transform_2(%arg0: i32) -> (i32, i32) {
    %c0_i32 = arith.constant 0 : i32
    %c0_i32_0 = arith.constant 0 : i32
    return %arg0, %c0_i32 : i32, i32
  }
  func.func @transform_3(%arg0: i32) -> (i32, i32) {
    %c0_i32 = arith.constant 0 : i32
    %c0_i32_0 = arith.constant 0 : i32
    return %arg0, %c0_i32 : i32, i32
  }
  func.func @transform_4(%arg0: i32) -> (i32, i32) {
    %c0_i32 = arith.constant 0 : i32
    %c0_i32_0 = arith.constant 0 : i32
    %c0_i32_1 = arith.constant 0 : i32
    return %c0_i32, %c0_i32_0 : i32, i32
  }
  func.func @transform_5(%arg0: i32) -> (i32, i32) {
    %c0_i32 = arith.constant 0 : i32
    %c0_i32_0 = arith.constant 0 : i32
    %c0_i32_1 = arith.constant 0 : i32
    return %c0_i32, %c0_i32_0 : i32, i32
  }
  func.func @transform_6(%arg0: i32) -> (i32, i32) {
    %c0_i32 = arith.constant 0 : i32
    %c0_i32_0 = arith.constant 0 : i32
    return %arg0, %c0_i32 : i32, i32
  }
}

</mosaic_0001>

<sc_bundles>
// kernel: kernel.10.cloned.1.call-start
scs
__scs_entry_jumppad:
0x0: {  	(pc) =	sbr.rel $0x88, $3  }
0x1: {  	(tag) =	ssettag $0x0;
	lr =	simm.s32 $0x1  }
0x2: {  	[smem:$0x3F9A] =	sst lr;
	_ =	strace $0xD0000000  }
0x3: {  	_ = 	snop  }
0x4: {  	_ = 	snop  }
0x5: {  	_ = 	snop  }
0x6: {  	_ = 	snop  }
0x7: {  	_ = 	snop  }
__scs_overlays_trampoline_lowered:
0x8: {  	[smem:$0x3FA9] =	sst s0  }
0x9: {  	[smem:$0x3FAA] =	sst s1  }
0xa: {  	[smem:$0x3FAB] =	sst s2  }
0xb: {  	[smem:$0x3FAC] =	sst s3  }
0xc: {  	[smem:$0x3FAD] =	sst s4  }
0xd: {  	[smem:$0x3FAE] =	sst s5  }
0xe: {  	[smem:$0x3FAF] =	sst s6  }
0xf: {  	[smem:$0x3FB0] =	sst s7  }
0x10: {  	[smem:$0x3FB1] =	sst s8  }
0x11: {  	[smem:$0x3FB2] =	sst s9;
	s0 =	simm.s32 @!p0 $0x0  }
0x12: {  	s1 =	sld [smem:$0x3F98];
	s0 =	simm.s32 @p0 $0x1  }
0x13: {  	[smem:$0x3FB3] =	sst s0;
	s0 =	simm.s32 @!p1 $0x0  }
0x14: {  	s2 =	sld [smem:$0x3F97];
	s0 =	simm.s32 @p1 $0x1  }
0x15: {  	[smem:$0x3FB4] =	sst s0;
	s0 =	simm.s32 @!p2 $0x0  }
0x16: {  	s3 =	sld [smem:$0x3FDB];
	s0 =	simm.s32 @p2 $0x1  }
0x17: {  	s4 =	simm.s32 $0x1BF5;
	[smem:$0x3FB6] =	sst s0  }
0x18: {  	s0 =	sld [smem:$0x3F99];
	_ =	swait.ge [sflag:s4], $0x0  }
0x19: {  	s7 =	sld [smem:$0x3F9A]  }
0x1a: {  	s8 =	sadd.s32 $0xFFFFE003, lr  }
0x1b: {  	s9 =	sadd.s32 $0xFFFFFEF7, lr;
	s5 =	simm.s32 $0xFFFFFFFF;
	p2 =	slt.u32 s8, $0xFFFFF086  }
0x1c: {  	p1 =	slt.u32 s9, $0xF7A;
	s5 =	simm.s32 @!p2 $0x0  }
0x1d: {  	s5 =	simm.s32 @p1 $0x1;
	p0 =	seq.s32 s7, s2  }
0x1e: {  	s7 =	smul.u32 @!p0 $0xF7A, s2;
	p2 =	seq.s32 @!p0 s5, $0x0  }
0x1f: {  	s9 =	smul.u32 $0xF7A, s1;
	s8 =	simm.s32 @!p0 $0x1BF5;
	p2 =	por !p2, p0  }
0x20: {  	[sflag:s8] =	ssyncset.s32 @!p0 $0xFFFFF086;
	s6 =	sadd.s32 @!p0 s3, s7;
	s7 =	simm.s32 @!p0 $0x108  }
0x21: {  	s3 =	sadd.s32 s3, s9;
	s6 =	sadd.s32 @!p0 $0x88, s6;
	s7 =	simm.s32 @p2 $0x1082  }
0x22: {  	[simem:s7], [sflag:s8] =	dma.local @!p0 [hbm:s6], $0xF7A  }
0x23: {  	s9 =	sor.u32 $0xD0000000, s2;
	s6 =	simm.s32 $0x108;
	_ =	swait.ge @!p0 [sflag:s8], $0x0  }
0x24: {  	s3 =	sadd.s32 $0x88, s3;
	s6 =	simm.s32 @!p1 $0x1082;
	[sflag:s4] =	ssyncset.s32 $0xFFFFF086  }
0x25: {  	[simem:s6], [sflag:s4] =	dma.local [hbm:s3], $0xF7A  }
0x26: {  	[smem:$0x3F9A] =	sst s1;
	(tag) =	ssettag s2;
	_ =	strace s9  }
0x27: {  	s1 =	sld [smem:$0x3FAA]  }
0x28: {  	s2 =	sld [smem:$0x3FAB]  }
0x29: {  	s4 =	sld [smem:$0x3FAD]  }
0x2a: {  	p0 =	seq.s32 s5, $0x0;
	s5 =	sld [smem:$0x3FAE]  }
0x2b: {  	s6 =	sld [smem:$0x3FAF]  }
0x2c: {  	s7 =	sld [smem:$0x3FB0]  }
0x2d: {  	s3 =	simm.s32 $0x108;
	s8 =	sld [smem:$0x3FB1]  }
0x2e: {  	s3 =	simm.s32 @!p0 $0x1082;
	s9 =	sld [smem:$0x3FB2]  }
0x2f: {  	lr =	sadd.s32 s0, s3;
	s0 =	sld [smem:$0x3FA9]  }
0x30: {  	s3 =	sld [smem:$0x3FAC]  }
0x31: {  	[smem:$0x3FB5] =	sst s10  }
0x32: {  	s10 =	sld [smem:$0x3FB3];
	_ =	sdelay $0x3  }
0x33: {  	p0 =	seq.s32 s10, $0x1;
	s10 =	sld [smem:$0x3FB5];
	_ =	sdelay $0x3  }
0x34: {  	[smem:$0x3FB5] =	sst s10  }
0x35: {  	s10 =	sld [smem:$0x3FB4];
	_ =	sdelay $0x3  }
0x36: {  	p1 =	seq.s32 s10, $0x1;
	s10 =	sld [smem:$0x3FB5];
	_ =	sdelay $0x3  }
0x37: {  	[smem:$0x3FB5] =	sst s10  }
0x38: {  	s10 =	sld [smem:$0x3FB6]  }
0x39: {  	_ = 	snop;
	(pc) =	sbr.ind lr, $3  }
0x3a: {  	_ = 	snop  }
0x3b: {  	_ = 	snop  }
0x3c: {  	p2 =	seq.s32 s10, $0x1;
	s10 =	sld [smem:$0x3FB5]  }
0x3d: {  	_ =	shalt  }
0x3e: {  	_ =	shalt  }
0x3f: {  	_ =	shalt  }
0x40: {  	_ =	shalt  }
0x41: {  	_ =	shalt  }
0x42: {  	_ =	shalt  }
0x43: {  	_ =	shalt  }
0x44: {  	_ =	shalt  }
0x45: {  	_ =	shalt  }
0x46: {  	_ =	shalt  }
0x47: {  	_ =	shalt  }
0x48: {  	_ =	shalt  }
0x49: {  	_ =	shalt  }
0x4a: {  	_ =	shalt  }
0x4b: {  	_ =	shalt  }
0x4c: {  	_ =	shalt  }
0x4d: {  	_ =	shalt  }
0x4e: {  	_ =	shalt  }
0x4f: {  	_ =	shalt  }
0x50: {  	_ =	shalt  }
0x51: {  	_ =	shalt  }
0x52: {  	_ =	shalt  }
0x53: {  	_ =	shalt  }
0x54: {  	_ =	shalt  }
0x55: {  	_ =	shalt  }
0x56: {  	_ =	shalt  }
0x57: {  	_ =	shalt  }
0x58: {  	_ =	shalt  }
0x59: {  	_ =	shalt  }
0x5a: {  	_ =	shalt  }
0x5b: {  	_ =	shalt  }
0x5c: {  	_ =	shalt  }
0x5d: {  	_ =	shalt  }
0x5e: {  	_ =	shalt  }
0x5f: {  	_ =	shalt  }
0x60: {  	_ =	shalt  }
0x61: {  	_ =	shalt  }
0x62: {  	_ =	shalt  }
0x63: {  	_ =	shalt  }
0x64: {  	_ =	shalt  }
0x65: {  	_ =	shalt  }
0x66: {  	_ =	shalt  }
0x67: {  	_ =	shalt  }
0x68: {  	_ =	shalt  }
0x69: {  	_ =	shalt  }
0x6a: {  	_ =	shalt  }
0x6b: {  	_ =	shalt  }
0x6c: {  	_ =	shalt  }
0x6d: {  	_ =	shalt  }
0x6e: {  	_ =	shalt  }
0x6f: {  	_ =	shalt  }
0x70: {  	_ =	shalt  }
0x71: {  	_ =	shalt  }
0x72: {  	_ =	shalt  }
0x73: {  	_ =	shalt  }
0x74: {  	_ =	shalt  }
0x75: {  	_ =	shalt  }
0x76: {  	_ =	shalt  }
0x77: {  	_ =	shalt  }
0x78: {  	_ =	shalt  }
0x79: {  	_ =	shalt  }
0x7a: {  	_ =	shalt  }
0x7b: {  	_ =	shalt  }
0x7c: {  	_ =	shalt  }
0x7d: {  	_ =	shalt  }
0x7e: {  	_ =	shalt  }
0x7f: {  	_ =	shalt  }
0x80: {  	_ =	shalt  }
0x81: {  	_ =	shalt  }
0x82: {  	_ =	shalt  }
0x83: {  	_ =	shalt  }
0x84: {  	_ =	shalt  }
0x85: {  	_ =	shalt  }
0x86: {  	_ =	shalt  }
0x87: {  	_ =	shalt  }
.Lfunc_end0:
.L_simem_size_0:
called_computation.1_lowered:
.L_overlay_start_0:
0x88: {  	s2 =	sld [smem:$0x3FD9]  }
0x89: {  	s3 =	sld [smem:$0x3FFE];
	_ =	sdelay $0x1  }
0x8a: {  	s1 =	srdreg.scid  }
0x8b: {  	s0 =	sand.u32 $0x1, s1  }
0x8c: {  	s17 =	sshll.u32 s0, $0xA;
	s2 =	sadd.s32 s3, s2  }
0x8d: {  	s2 =	sadd.s32 s2, s17  }
0x8e: {  	[smem:$0x3FC1] =	sst s2  }
0x8f: {  	_ = 	snop  }
0x90: {  	s4 =	sld [smem:$0x3FC9]  }
0x91: {  	s18 =	sld [smem:$0x3FD0];
	(tm) =	ssettm $0x1  }
0x92: {  	s19 =	sld [smem:$0x3FFB];
	_ =	sdelay $0x3  }
0x93: {  	_ =	strace s19  }
0x94: {  	s2 =	sld [smem:$0x3FFC];
	_ =	sdelay $0x3  }
0x95: {  	_ =	strace s2  }
0x96: {  	s2 =	sld [smem:$0x3FFD];
	_ =	sdelay $0x3  }
0x97: {  	_ =	strace s2  }
0x98: {  	_ =	strace $0x8FFFFFFF  }
0x99: {  	s20 =	sld [smem:$0x3FDB];
	_ =	sdelay $0x1  }
0x9a: {  	s5 =	simm.s32 $_scs_section_size  }
0x9b: {  	s6 =	simm.s32 $_size__tile_overlayer_lowered;
	s7 =	simm.s32 $_tile_overlayer_lowered  }
0x9c: {  	s8 =	simm.s32 $0x1BFF;
	s21 =	sshll.u32 s7, $0x1;
	s5 =	sadd.s32 s5, s20  }
0x9d: {  	s22 =	simm.s32 $0x0;
	s6 =	sshll.u32 s6, $0x1;
	s7 =	sadd.s32 s21, s5  }
0x9e: {  	[timem:s22], [sflag:s8] =	dma.local [hbm:s7], s6  }
0x9f: {  	_ =	swait.ge [sflag:s8], s6  }
0xa0: {  	s6 =	ssub.s32 $0x0, s6;
	[sflag:s8] =	ssyncset.done $0x0  }
0xa1: {  	[sflag:s8] =	ssyncadd.s32 s6;
	_ =	sdelay $0x1  }
0xa2: {  	s23 =	simm.s32 $0x1B8B  }
0xa3: {  	_ =	swait.ge [sflag:s23], $0x1  }
0xa4: {  	[sflag:s23] =	ssyncset.done $0x0  }
0xa5: {  	[sflag:s23] =	ssyncadd.s32 $0xFFFFFFFF  }
0xa6: {  	s6 =	sld [smem:$0x0]  }
0xa7: {  	s7 =	sand.u32 $0xFFFFFFFE, s1  }
0xa8: {  	p0 =	sne.s32 s1, s7  }
0xa9: {  	s7 =	sshll.u32 @p0 s7, $0xE  }
0xaa: {  	s7 =	sadd.s32 @p0 $0x11B8D, s7;
	s8 =	sshll.u32 @p0 s6, $0x11  }
0xab: {  	s7 =	sor.u32 @p0 s8, s7  }
0xac: {  	[sflag:s7] =	ssyncadd.remote.s32 @p0 $0x1;
	_ =	sdelay $0x1  }
0xad: {  	s7 =	simm.s32 @p0 $0x1B8D  }
0xae: {  	_ =	swait.eq @p0 [sflag:s7], $0x1  }
0xaf: {  	[sflag:s7] =	ssyncadd.s32 @p0 $0xFFFFFFFF  }
0xb0: {  	s8 =	sshll.u32 @!p0 s1, $0xE  }
0xb1: {  	s8 =	sor.u32 @!p0 $0x4000, s8;
	s7 =	simm.s32 @!p0 $0x1B8D  }
0xb2: {  	s6 =	sshll.u32 @!p0 s6, $0x11;
	s8 =	sadd.s32 @!p0 $0x11B8D, s8;
	_ =	swait.eq @!p0 [sflag:s7], $0x1  }
0xb3: {  	s6 =	sor.u32 @!p0 s6, s8;
	[sflag:s7] =	ssyncadd.s32 @!p0 $0xFFFFFFFF  }
0xb4: {  	s25 =	simm.s32 $0x1B8E;
	s24 =	sld [smem:$0x3FFE];
	[sflag:s6] =	ssyncadd.remote.s32 @!p0 $0x1  }
0xb5: {  	s26 =	simm.s32 $execute0_lowered;
	[smem:$0x3FD2] =	sst s25  }
0xb6: {  	s7 =	sshll.u32 s26, $0x1;
	_ =	strace $0x80000049;
	[dreg:$0x1] =	wrdreg $0xFFFFFFFF  }
0xb7: {  	s28 =	simm.s32 $_size_execute0_lowered;
	s5 =	sadd.s32 s5, s7;
	[dreg:$0x0] =	wrdreg $0x0  }
0xb8: {  	s7 =	sshll.u32 s28, $0x1;
	[dreg:$0x2] =	wrdreg s5  }
0xb9: {  	[dreg:$0x3] =	wrdreg s7  }
0xba: {  	[dreg:$0x4] =	wrdreg $0xC0  }
0xbb: {  	_ =	task [dreg:s22], $0x5FFFF  }
0xbc: {  	[dreg:$0x1] =	wrdreg $0xFFFFFFFF  }
0xbd: {  	[dreg:$0x0] =	wrdreg $0x60  }
0xbe: {  	[dreg:$0x2] =	wrdreg s4  }
0xbf: {  	[dreg:$0x3] =	wrdreg s24  }
0xc0: {  	[dreg:$0x4] =	wrdreg s18  }
0xc1: {  	[dreg:$0x5] =	wrdreg $0x29000  }
0xc2: {  	[dreg:$0x6] =	wrdreg $0xA  }
0xc3: {  	_ =	task.clear_ibuf [dreg:s22], $0x7FFFF;
	_ =	strace $0x90000049  }
0xc4: {  	s29 =	simm.s32 $0xA;
	_ =	strace $0x8000004B  }
0xc5: {  	_ =	swait.ge [sflag:s29], $0x1  }
0xc6: {  	[sflag:s29] =	ssyncadd.s32 $0xFFFFFFFF  }
0xc7: {  	_ =	strace $0x9000004B  }
0xc8: {  	_ =	sfence  }
0xc9: {  	s30 =	sld [smem:$0x0];
	_ =	sdelay $0x2  }
0xca: {  	s31 =	sshll.u32 s1, $0xD;
	s1 =	sshrl.u32 s1, $0x2  }
0xcb: {  	s4 =	sand.u32 $0x4000, s31;
	s1 =	sadd.s32 s1, s30  }
0xcc: {  	s0 =	sor.u32 s4, s0;
	s1 =	sshll.u32 s1, $0x11  }
0xcd: {  	s0 =	sor.u32 s1, s0  }
0xce: {  	s0 =	sadd.s32 $0x8F2B, s0  }
0xcf: {  	[sflag:s0] =	ssyncadd.remote.s32 $0x1  }
0xd0: {  	_ =	sfence.sel $0xFFFF  }
0xd1: {  	[dreg:$0x0] =	wrdreg $0xFFFFFFFF;
	(pc) =	sbr.abs _section_cstart, $3  }
0xd2: {  	[dreg:$0x1] =	wrdreg $0xFFFFFFFF  }
0xd3: {  	_ =	task.clear_ibuf [dreg:s22], $0x2FFFF;
	_ =	strace $0x9FFFFFFF  }
0xd4: {  	(tm) =	ssettm $0x7FFFFFFF  }
0xd5: {  	_ =	shalt  }
tec
execute0_lowered:
.L_overlay_start_1:
0x0: {  	(tag) =	ssettag $0x1  }
0x1: {  	s1 =	rddreg [dreg:$0x0]  }
0x2: {  	s7 =	rddreg [dreg:$0x1]  }
0x3: {  	s12 =	rddreg [dreg:$0x2]  }
0x4: {  	s0 =	srdreg.scid;
	s3 =	rddreg [dreg:$0x3];
	s4 =	simm.s32 $0x0  }
0x5: {  	s17 =	simm.s32 $0x2880;
	s18 =	simm.s32 $0x80;
	s6 =	sand.u32 $0x1, s0  }
0x6: {  	s19 =	simm.s32 $0x16500;
	s0 =	stileid.u32;
	s5 =	smul.u32 $0x13C000, s6  }
0x7: {  	s20 =	simm.s32 $0x1;
	s21 =	simm.s32 $0x1A500;
	s9 =	smul.u32 $0x13C00, s0  }
0x8: {  	s22 =	simm.s32 $0x3;
	s23 =	simm.s32 $0x2;
	s11 =	smul.u32 $0x4F000, s0  }
0x9: {  	s24 =	simm.s32 $0x4;
	[smem:$0x7FF] =	sst s4;
	s26 =	smul.u32 $0x500, s6  }
0xa: {  	s2 =	sshll.u32 s6, $0x4;
	s25 =	ssub.s32 $0x2, s6;
	s14 =	smul.u32 $0x50, s0  }
0xb: {  	s29 =	sshll.u32 s0, $0x6;
	s2 =	sor.u32 s0, s2;
	s28 =	sshrl.u32 s25, $0x1  }
0xc: {  	s6 =	sor.u32 $0x1C05, s29;
	s8 =	smul.u32 $0x500, s2;
	s2 =	rddreg [dreg:$0x4]  }
0xd: {  	_ =	strace $0x8000004A;
	s9 =	sadd.s32 s9, s5;
	s5 =	sadd.s32 $0xC200, s7  }
0xe: {  	s11 =	sshrl.u32 s11, $0x2;
	s15 =	ssub.s32 s25, s28;
	s30 =	sadd.s32 s14, s26  }
0xf: {  	s25 =	simm.s32 $0x2780;
	s26 =	simm.s32 $0x0;
	s9 =	sshrl.u32 s9, $0x3  }
0x10: {  	s16 =	sadd.s32 s11, s3;
	s14 =	sshll.u32 s30, $0x4;
	s11 =	smax.u32 s15, $0x1  }
0x11: {  	s15 =	simm.s32 $0x5;
	s10 =	sadd.s32 s8, s7;
	s13 =	sadd.s32 s9, s7  }
0x12: {  	s7 =	sadd.s32 s12, s8;
	s31 =	sadd.s32 s14, s12;
	s14 =	sshrl.u32 s16, $0x3  }
0x13: {  	s16 =	simm.s32 $0x2800;
	s8 =	sadd.s32 $0x5DA00, s10;
	s9 =	sadd.s32 $0x10, s7  }
0x14: {  	s10 =	sadd.s32 $0x67A00, s13;
	s12 =	sadd.s32 $0x30, s31;
	s13 =	sadd.s32 $0x20, s31  }
.LBB2_1:
0x15: {  	[spmem:s14], [sflag:s6] =	dma.local [hbm:s5], $0x2780  }
0x16: {  	_ =	swait.ge [sflag:s15], $0x2780  }
0x17: {  	[sflag:s15] =	ssyncset.done $0x0  }
0x18: {  	[sflag:s15] =	ssyncadd.s32 $0xFFFFD880  }
0x19: {  	[tilespmem:s4], [sflag:$0x5] =	stream.linear.gather [hbm4b:s8+s4], $0x2800, $0x38;
	[tilespmem:$0x1E500] =	vst v63  }
0x1a: {  	_ =	swait.ge [sflag:s15], $0x2800  }
0x1b: {  	[sflag:s15] =	ssyncset.done $0x0  }
0x1c: {  	[sflag:s15] =	ssyncadd.s32 $0xFFFFD800  }
0x1d: {  	[bflag:$0x0] =	sbarrier.arrive $0xFFFF  }
0x1e: {  	[tilespmem:s16], [sflag:$0x3] =	stream.linear.gather [hbm4b:s7+s4], $0x80, $0x38;
	[tilespmem:$0x1E500] =	vst v63  }
0x1f: {  	_ = 	snop  }
0x20: {  	[tilespmem:s17], [sflag:$0x4] =	stream.linear.gather [hbm4b:s9+s4], $0x80, $0x38;
	[tilespmem:$0x1E500] =	vst v63  }
0x21: {  	_ = 	snop  }
0x22: {  	[tilespmem:s19], [sflag:$0x1] =	stream.indirect.gather [hbm4b:s1+s18], $0x80, s4, s18, $0xb8;
	[tilespmem:$0x1E500] =	vst v63  }
0x23: {  	_ =	swait.ge [sflag:s20], $0x4000  }
0x24: {  	[sflag:s20] =	ssyncset.done $0x0  }
0x25: {  	s28 =	simm.s32 $0x80;
	[sflag:s20] =	ssyncadd.s32 $0xFFFFC000  }
0x26: {  	[tilespmem:s21], [sflag:$0x2] =	stream.indirect.gather [hbm4b:s1+s18], $0x80, s28, s18, $0xb8;
	[tilespmem:$0x1E500] =	vst v63  }
0x27: {  	_ =	swait.ge [sflag:s22], $0x80  }
0x28: {  	[sflag:s22] =	ssyncset.done $0x0  }
0x29: {  	[sflag:s22] =	ssyncadd.s32 $0xFFFFFF80  }
0x2a: {  	[spmem:s3] =	stream.indirect.scatter.add.f32 [tilespmem:s19], [sflag:$0x5], $0x80, s16, s18, $0xb8;
	[tilespmem:$0x1E500] =	vst v63  }
0x2b: {  	_ =	swait.ge [sflag:s15], $0x4000  }
0x2c: {  	[sflag:s15] =	ssyncset.done $0x0  }
0x2d: {  	s28 =	sadd.s32 $0x0, s13;
	[sflag:s15] =	ssyncadd.s32 $0xFFFFC000  }
0x2e: {  	[tilespmem:s16], [sflag:$0x3] =	stream.linear.gather [hbm4b:s28+s4], $0x80, $0x38;
	[tilespmem:$0x1E500] =	vst v63  }
0x2f: {  	_ =	swait.ge [sflag:s23], $0x4000  }
0x30: {  	[sflag:s23] =	ssyncset.done $0x0  }
0x31: {  	s28 =	simm.s32 $0x100;
	[sflag:s23] =	ssyncadd.s32 $0xFFFFC000  }
0x32: {  	[tilespmem:s19], [sflag:$0x1] =	stream.indirect.gather [hbm4b:s1+s18], $0x80, s28, s18, $0xb8;
	[tilespmem:$0x1E500] =	vst v63  }
0x33: {  	_ =	swait.ge [sflag:s24], $0x80  }
0x34: {  	[sflag:s24] =	ssyncset.done $0x0  }
0x35: {  	[sflag:s24] =	ssyncadd.s32 $0xFFFFFF80  }
0x36: {  	[spmem:s3] =	stream.indirect.scatter.add.f32 [tilespmem:s21], [sflag:$0x5], $0x80, s17, s18, $0xb8;
	[tilespmem:$0x1E500] =	vst v63  }
0x37: {  	_ =	swait.ge [sflag:s15], $0x4000  }
0x38: {  	s30 =	sadd.s32 $0x0, s12;
	[sflag:s15] =	ssyncset.done $0x0  }
0x39: {  	s29 =	simm.s32 $0x200;
	s28 =	simm.s32 $0x20;
	[sflag:s15] =	ssyncadd.s32 $0xFFFFC000  }
.LBB2_2:
0x3a: {  	[tilespmem:s17], [sflag:$0x4] =	stream.linear.gather [hbm4b:s30+s4], $0x80, $0x38;
	[tilespmem:$0x1E500] =	vst v63  }
0x3b: {  	s30 =	smov.u32 s28  }
0x3c: {  	p0 =	sne.s32 s28, $0x4C0;
	s28 =	sadd.s32 $0x20, s28;
	_ =	swait.ge [sflag:s20], $0x4000  }
0x3d: {  	[sflag:s20] =	ssyncset.done $0x0  }
0x3e: {  	s31 =	sadd.s32 $0xFFFFFF80, s29;
	[sflag:s20] =	ssyncadd.s32 $0xFFFFC000  }
0x3f: {  	[tilespmem:s21], [sflag:$0x2] =	stream.indirect.gather [hbm4b:s1+s18], $0x80, s31, s18, $0xb8;
	[tilespmem:$0x1E500] =	vst v63  }
0x40: {  	_ =	swait.ge [sflag:s22], $0x80  }
0x41: {  	[sflag:s22] =	ssyncset.done $0x0  }
0x42: {  	[sflag:s22] =	ssyncadd.s32 $0xFFFFFF80  }
0x43: {  	[spmem:s3] =	stream.indirect.scatter.add.f32 [tilespmem:s19], [sflag:$0x5], $0x80, s16, s18, $0xb8;
	[tilespmem:$0x1E500] =	vst v63  }
0x44: {  	_ =	swait.ge [sflag:s15], $0x4000  }
0x45: {  	[sflag:s15] =	ssyncset.done $0x0  }
0x46: {  	s31 =	sadd.s32 s30, s13;
	[sflag:s15] =	ssyncadd.s32 $0xFFFFC000  }
0x47: {  	[tilespmem:s16], [sflag:$0x3] =	stream.linear.gather [hbm4b:s31+s4], $0x80, $0x38;
	[tilespmem:$0x1E500] =	vst v63  }
0x48: {  	_ =	swait.ge [sflag:s23], $0x4000  }
0x49: {  	[sflag:s23] =	ssyncset.done $0x0  }
0x4a: {  	[sflag:s23] =	ssyncadd.s32 $0xFFFFC000  }
0x4b: {  	[tilespmem:s19], [sflag:$0x1] =	stream.indirect.gather [hbm4b:s1+s18], $0x80, s29, s18, $0xb8;
	[tilespmem:$0x1E500] =	vst v63  }
0x4c: {  	_ =	swait.ge [sflag:s24], $0x80  }
0x4d: {  	[sflag:s24] =	ssyncset.done $0x0  }
.Ltmp0:
0x4e: {  	[sflag:s24] =	ssyncadd.s32 $0xFFFFFF80;
	(pc) =	sbr.rel @p0 .LBB2_2-.Ltmp0, $4  }
0x4f: {  	[spmem:s3] =	stream.indirect.scatter.add.f32 [tilespmem:s21], [sflag:$0x5], $0x80, s17, s18, $0xb8;
	[tilespmem:$0x1E500] =	vst v63  }
0x50: {  	_ =	swait.ge [sflag:s15], $0x4000  }
0x51: {  	[sflag:s15] =	ssyncset.done $0x0  }
0x52: {  	s30 =	sadd.s32 s30, s12;
	s29 =	sadd.s32 $0x100, s29;
	[sflag:s15] =	ssyncadd.s32 $0xFFFFC000  }
0x53: {  	[tilespmem:s17], [sflag:$0x4] =	stream.linear.gather [hbm4b:s30+s4], $0x80, $0x38;
	[tilespmem:$0x1E500] =	vst v63  }
0x54: {  	_ =	swait.ge [sflag:s20], $0x4000  }
0x55: {  	[sflag:s20] =	ssyncset.done $0x0  }
0x56: {  	[sflag:s20] =	ssyncadd.s32 $0xFFFFC000  }
0x57: {  	[tilespmem:s21], [sflag:$0x2] =	stream.indirect.gather [hbm4b:s1+s18], $0x80, s25, s18, $0xb8;
	[tilespmem:$0x1E500] =	vst v63  }
0x58: {  	_ =	swait.ge [sflag:s22], $0x80  }
0x59: {  	[sflag:s22] =	ssyncset.done $0x0  }
0x5a: {  	[sflag:s22] =	ssyncadd.s32 $0xFFFFFF80  }
0x5b: {  	[spmem:s3] =	stream.indirect.scatter.add.f32 [tilespmem:s19], [sflag:$0x5], $0x80, s16, s18, $0xb8;
	[tilespmem:$0x1E500] =	vst v63  }
0x5c: {  	_ =	swait.ge [sflag:s15], $0x4000  }
0x5d: {  	[sflag:s15] =	ssyncset.done $0x0  }
0x5e: {  	[sflag:s15] =	ssyncadd.s32 $0xFFFFC000  }
0x5f: {  	_ =	swait.ge [sflag:s23], $0x4000  }
0x60: {  	[sflag:s23] =	ssyncset.done $0x0  }
0x61: {  	[sflag:s23] =	ssyncadd.s32 $0xFFFFC000  }
0x62: {  	_ =	swait.ge [sflag:s24], $0x80  }
0x63: {  	[sflag:s24] =	ssyncset.done $0x0  }
0x64: {  	[sflag:s24] =	ssyncadd.s32 $0xFFFFFF80  }
0x65: {  	[spmem:s3] =	stream.indirect.scatter.add.f32 [tilespmem:s21], [sflag:$0x5], $0x80, s17, s18, $0xb8;
	[tilespmem:$0x1E500] =	vst v63  }
0x66: {  	_ =	swait.ge [sflag:s15], $0x4000  }
0x67: {  	s26 =	sadd.s32 $0x1, s26;
	[sflag:s15] =	ssyncset.done $0x0  }
0x68: {  	p0 =	sne.s32 s26, s11;
	[sflag:s15] =	ssyncadd.s32 $0xFFFFC000  }
.Ltmp1:
0x69: {  	[bflag:$0x0] =	sbarrier.arrive $0xFFFF;
	(pc) =	sbr.rel @p0 .LBB2_1-.Ltmp1, $4  }
0x6a: {  	[hbm:s10], [sflag:s6] =	dma.local [spmem:s14], $0x2780  }
0x6b: {  	_ =	swait.ge [sflag:s15], $0x2780  }
0x6c: {  	[sflag:s15] =	ssyncset.done $0x0  }
0x6d: {  	[sflag:s15] =	ssyncadd.s32 $0xFFFFD880  }
0x6e: {  	_ =	sfence.sel $0x180000  }
0x6f: {  	[bflag:$0x0] =	sbarrier.arrive $0xFFFF  }
0x70: {  	p0 =	sne.s32 s0, $0x0;
	_ =	strace $0x9000004A  }
0x71: {  	s0 =	sadd.s32 @!p0 $0x100000, s2;
	[bflag:$0x2] =	sbarrier.arrive $0xFFFF  }
0x72: {  	[sflag:s0] =	ssyncadd.tile.s32 @!p0 $0x1;
	_ =	shalt  }
.Lfunc_end2:
_tile_overlayer_lowered:
.L_overlay_start_2:
0x73: {  	(tag) =	ssettag $0x2  }
0x74: {  	s0 =	rddreg [dreg:$0x0];
	s2 =	stileid.u32  }
0x75: {  	s1 =	rddreg [dreg:$0x1];
	p0 =	sne.s32 s2, $0x0  }
0x76: {  	s3 =	rddreg [dreg:$0x2];
	[bflag:$0x3] =	sbarrier.arrive $0xFFFF;
	s2 =	simm.s32 @!p0 $0x1C05  }
0x77: {  	[timem:s3], [sflag:s2] =	dma.local @!p0 [hbm:s0], s1  }
0x78: {  	s0 =	simm.s32 @!p0 $0x5  }
0x79: {  	_ =	swait.ge @!p0 [sflag:s0], s1  }
0x7a: {  	s1 =	ssub.s32 @!p0 $0x0, s1;
	[sflag:s0] =	ssyncset.done @!p0 $0x0  }
0x7b: {  	[sflag:s0] =	ssyncadd.s32 @!p0 s1  }
0x7c: {  	[bflag:$0x3] =	sbarrier.arrive $0xFFFF  }
0x7d: {  	_ =	shalt  }

// kernel: kernel.13.cloned.1.call-start
scs
__scs_entry_jumppad:
0x0: {  	(pc) =	sbr.rel $0x88, $3  }
0x1: {  	(tag) =	ssettag $0x0;
	lr =	simm.s32 $0x1  }
0x2: {  	[smem:$0x3F9A] =	sst lr;
	_ =	strace $0xD0000000  }
0x3: {  	_ = 	snop  }
0x4: {  	_ = 	snop  }
0x5: {  	_ = 	snop  }
0x6: {  	_ = 	snop  }
0x7: {  	_ = 	snop  }
__scs_overlays_trampoline_lowered:
0x8: {  	[smem:$0x3FA9] =	sst s0  }
0x9: {  	[smem:$0x3FAA] =	sst s1  }
0xa: {  	[smem:$0x3FAB] =	sst s2  }
0xb: {  	[smem:$0x3FAC] =	sst s3  }
0xc: {  	[smem:$0x3FAD] =	sst s4  }
0xd: {  	[smem:$0x3FAE] =	sst s5  }
0xe: {  	[smem:$0x3FAF] =	sst s6  }
0xf: {  	[smem:$0x3FB0] =	sst s7  }
0x10: {  	[smem:$0x3FB1] =	sst s8  }
0x11: {  	[smem:$0x3FB2] =	sst s9;
	s0 =	simm.s32 @!p0 $0x0  }
0x12: {  	s1 =	sld [smem:$0x3F98];
	s0 =	simm.s32 @p0 $0x1  }
0x13: {  	[smem:$0x3FB3] =	sst s0;
	s0 =	simm.s32 @!p1 $0x0  }
0x14: {  	s2 =	sld [smem:$0x3F97];
	s0 =	simm.s32 @p1 $0x1  }
0x15: {  	[smem:$0x3FB4] =	sst s0;
	s0 =	simm.s32 @!p2 $0x0  }
0x16: {  	s3 =	sld [smem:$0x3FDB];
	s0 =	simm.s32 @p2 $0x1  }
0x17: {  	s4 =	simm.s32 $0x1BF5;
	[smem:$0x3FB6] =	sst s0  }
0x18: {  	s0 =	sld [smem:$0x3F99];
	_ =	swait.ge [sflag:s4], $0x0  }
0x19: {  	s7 =	sld [smem:$0x3F9A]  }
0x1a: {  	s8 =	sadd.s32 $0xFFFFE003, lr  }
0x1b: {  	s9 =	sadd.s32 $0xFFFFFEF7, lr;
	s5 =	simm.s32 $0xFFFFFFFF;
	p2 =	slt.u32 s8, $0xFFFFF086  }
0x1c: {  	p1 =	slt.u32 s9, $0xF7A;
	s5 =	simm.s32 @!p2 $0x0  }
0x1d: {  	s5 =	simm.s32 @p1 $0x1;
	p0 =	seq.s32 s7, s2  }
0x1e: {  	s7 =	smul.u32 @!p0 $0xF7A, s2;
	p2 =	seq.s32 @!p0 s5, $0x0  }
0x1f: {  	s9 =	smul.u32 $0xF7A, s1;
	s8 =	simm.s32 @!p0 $0x1BF5;
	p2 =	por !p2, p0  }
0x20: {  	[sflag:s8] =	ssyncset.s32 @!p0 $0xFFFFF086;
	s6 =	sadd.s32 @!p0 s3, s7;
	s7 =	simm.s32 @!p0 $0x108  }
0x21: {  	s3 =	sadd.s32 s3, s9;
	s6 =	sadd.s32 @!p0 $0x88, s6;
	s7 =	simm.s32 @p2 $0x1082  }
0x22: {  	[simem:s7], [sflag:s8] =	dma.local @!p0 [hbm:s6], $0xF7A  }
0x23: {  	s9 =	sor.u32 $0xD0000000, s2;
	s6 =	simm.s32 $0x108;
	_ =	swait.ge @!p0 [sflag:s8], $0x0  }
0x24: {  	s3 =	sadd.s32 $0x88, s3;
	s6 =	simm.s32 @!p1 $0x1082;
	[sflag:s4] =	ssyncset.s32 $0xFFFFF086  }
0x25: {  	[simem:s6], [sflag:s4] =	dma.local [hbm:s3], $0xF7A  }
0x26: {  	[smem:$0x3F9A] =	sst s1;
	(tag) =	ssettag s2;
	_ =	strace s9  }
0x27: {  	s1 =	sld [smem:$0x3FAA]  }
0x28: {  	s2 =	sld [smem:$0x3FAB]  }
0x29: {  	s4 =	sld [smem:$0x3FAD]  }
0x2a: {  	p0 =	seq.s32 s5, $0x0;
	s5 =	sld [smem:$0x3FAE]  }
0x2b: {  	s6 =	sld [smem:$0x3FAF]  }
0x2c: {  	s7 =	sld [smem:$0x3FB0]  }
0x2d: {  	s3 =	simm.s32 $0x108;
	s8 =	sld [smem:$0x3FB1]  }
0x2e: {  	s3 =	simm.s32 @!p0 $0x1082;
	s9 =	sld [smem:$0x3FB2]  }
0x2f: {  	lr =	sadd.s32 s0, s3;
	s0 =	sld [smem:$0x3FA9]  }
0x30: {  	s3 =	sld [smem:$0x3FAC]  }
0x31: {  	[smem:$0x3FB5] =	sst s10  }
0x32: {  	s10 =	sld [smem:$0x3FB3];
	_ =	sdelay $0x3  }
0x33: {  	p0 =	seq.s32 s10, $0x1;
	s10 =	sld [smem:$0x3FB5];
	_ =	sdelay $0x3  }
0x34: {  	[smem:$0x3FB5] =	sst s10  }
0x35: {  	s10 =	sld [smem:$0x3FB4];
	_ =	sdelay $0x3  }
0x36: {  	p1 =	seq.s32 s10, $0x1;
	s10 =	sld [smem:$0x3FB5];
	_ =	sdelay $0x3  }
0x37: {  	[smem:$0x3FB5] =	sst s10  }
0x38: {  	s10 =	sld [smem:$0x3FB6]  }
0x39: {  	_ = 	snop;
	(pc) =	sbr.ind lr, $3  }
0x3a: {  	_ = 	snop  }
0x3b: {  	_ = 	snop  }
0x3c: {  	p2 =	seq.s32 s10, $0x1;
	s10 =	sld [smem:$0x3FB5]  }
0x3d: {  	_ =	shalt  }
0x3e: {  	_ =	shalt  }
0x3f: {  	_ =	shalt  }
0x40: {  	_ =	shalt  }
0x41: {  	_ =	shalt  }
0x42: {  	_ =	shalt  }
0x43: {  	_ =	shalt  }
0x44: {  	_ =	shalt  }
0x45: {  	_ =	shalt  }
0x46: {  	_ =	shalt  }
0x47: {  	_ =	shalt  }
0x48: {  	_ =	shalt  }
0x49: {  	_ =	shalt  }
0x4a: {  	_ =	shalt  }
0x4b: {  	_ =	shalt  }
0x4c: {  	_ =	shalt  }
0x4d: {  	_ =	shalt  }
0x4e: {  	_ =	shalt  }
0x4f: {  	_ =	shalt  }
0x50: {  	_ =	shalt  }
0x51: {  	_ =	shalt  }
0x52: {  	_ =	shalt  }
0x53: {  	_ =	shalt  }
0x54: {  	_ =	shalt  }
0x55: {  	_ =	shalt  }
0x56: {  	_ =	shalt  }
0x57: {  	_ =	shalt  }
0x58: {  	_ =	shalt  }
0x59: {  	_ =	shalt  }
0x5a: {  	_ =	shalt  }
0x5b: {  	_ =	shalt  }
0x5c: {  	_ =	shalt  }
0x5d: {  	_ =	shalt  }
0x5e: {  	_ =	shalt  }
0x5f: {  	_ =	shalt  }
0x60: {  	_ =	shalt  }
0x61: {  	_ =	shalt  }
0x62: {  	_ =	shalt  }
0x63: {  	_ =	shalt  }
0x64: {  	_ =	shalt  }
0x65: {  	_ =	shalt  }
0x66: {  	_ =	shalt  }
0x67: {  	_ =	shalt  }
0x68: {  	_ =	shalt  }
0x69: {  	_ =	shalt  }
0x6a: {  	_ =	shalt  }
0x6b: {  	_ =	shalt  }
0x6c: {  	_ =	shalt  }
0x6d: {  	_ =	shalt  }
0x6e: {  	_ =	shalt  }
0x6f: {  	_ =	shalt  }
0x70: {  	_ =	shalt  }
0x71: {  	_ =	shalt  }
0x72: {  	_ =	shalt  }
0x73: {  	_ =	shalt  }
0x74: {  	_ =	shalt  }
0x75: {  	_ =	shalt  }
0x76: {  	_ =	shalt  }
0x77: {  	_ =	shalt  }
0x78: {  	_ =	shalt  }
0x79: {  	_ =	shalt  }
0x7a: {  	_ =	shalt  }
0x7b: {  	_ =	shalt  }
0x7c: {  	_ =	shalt  }
0x7d: {  	_ =	shalt  }
0x7e: {  	_ =	shalt  }
0x7f: {  	_ =	shalt  }
0x80: {  	_ =	shalt  }
0x81: {  	_ =	shalt  }
0x82: {  	_ =	shalt  }
0x83: {  	_ =	shalt  }
0x84: {  	_ =	shalt  }
0x85: {  	_ =	shalt  }
0x86: {  	_ =	shalt  }
0x87: {  	_ =	shalt  }
.Lfunc_end0:
.L_simem_size_0:
called_computation.2_lowered:
.L_overlay_start_0:
0x88: {  	s2 =	sld [smem:$0x3FD9]  }
0x89: {  	s3 =	sld [smem:$0x3FFE];
	_ =	sdelay $0x1  }
0x8a: {  	s1 =	srdreg.scid  }
0x8b: {  	s0 =	sand.u32 $0x1, s1  }
0x8c: {  	s17 =	sshll.u32 s0, $0xA;
	s2 =	sadd.s32 s3, s2  }
0x8d: {  	s2 =	sadd.s32 s2, s17  }
0x8e: {  	[smem:$0x3FC1] =	sst s2  }
0x8f: {  	_ = 	snop  }
0x90: {  	s2 =	sld [smem:$0x3FD0];
	(tm) =	ssettm $0x1  }
0x91: {  	s18 =	sld [smem:$0x3FFB];
	_ =	sdelay $0x3  }
0x92: {  	_ =	strace s18  }
0x93: {  	s3 =	sld [smem:$0x3FFC];
	_ =	sdelay $0x3  }
0x94: {  	_ =	strace s3  }
0x95: {  	s3 =	sld [smem:$0x3FFD];
	_ =	sdelay $0x3  }
0x96: {  	_ =	strace s3  }
0x97: {  	_ =	strace $0x8FFFFFFF  }
0x98: {  	s19 =	sld [smem:$0x3FDB];
	_ =	sdelay $0x1  }
0x99: {  	s4 =	simm.s32 $_scs_section_size  }
0x9a: {  	s5 =	simm.s32 $_size__tile_overlayer_lowered;
	s6 =	simm.s32 $_tile_overlayer_lowered  }
0x9b: {  	s22 =	simm.s32 $0x1BFF;
	s21 =	sshll.u32 s6, $0x1;
	s3 =	sadd.s32 s4, s19  }
0x9c: {  	s7 =	simm.s32 $0x0;
	s20 =	sshll.u32 s5, $0x1;
	s5 =	sadd.s32 s21, s3  }
0x9d: {  	[timem:s7], [sflag:s22] =	dma.local [hbm:s5], s20  }
0x9e: {  	_ =	swait.ge [sflag:s22], s20  }
0x9f: {  	s4 =	ssub.s32 $0x0, s20;
	[sflag:s22] =	ssyncset.done $0x0  }
0xa0: {  	[sflag:s22] =	ssyncadd.s32 s4;
	_ =	sdelay $0x1  }
0xa1: {  	s23 =	simm.s32 $0x1B8B  }
0xa2: {  	_ =	swait.ge [sflag:s23], $0x1  }
0xa3: {  	[sflag:s23] =	ssyncset.done $0x0  }
0xa4: {  	s25 =	simm.s32 $0x1B8E;
	s24 =	sld [smem:$0x3FFE];
	[sflag:s23] =	ssyncadd.s32 $0xFFFFFFFF  }
0xa5: {  	s26 =	simm.s32 $execute0_lowered;
	[smem:$0x3FD2] =	sst s25  }
0xa6: {  	s5 =	sshll.u32 s26, $0x1;
	_ =	strace $0x8000004C;
	[dreg:$0x1] =	wrdreg $0xFFFFFFFF  }
0xa7: {  	s28 =	simm.s32 $_size_execute0_lowered;
	s3 =	sadd.s32 s3, s5;
	[dreg:$0x0] =	wrdreg $0x0  }
0xa8: {  	s5 =	sshll.u32 s28, $0x1;
	[dreg:$0x2] =	wrdreg s3  }
0xa9: {  	[dreg:$0x3] =	wrdreg s5  }
0xaa: {  	[dreg:$0x4] =	wrdreg $0xC0  }
0xab: {  	_ =	task [dreg:s7], $0x5FFFF  }
0xac: {  	[dreg:$0x1] =	wrdreg $0xFFFFFFFF  }
0xad: {  	[dreg:$0x0] =	wrdreg $0x60  }
0xae: {  	[dreg:$0x2] =	wrdreg s24  }
0xaf: {  	[dreg:$0x3] =	wrdreg s2  }
0xb0: {  	[dreg:$0x4] =	wrdreg $0x29000  }
0xb1: {  	[dreg:$0x5] =	wrdreg $0x9  }
0xb2: {  	_ =	task.clear_ibuf [dreg:s7], $0x6FFFF;
	_ =	strace $0x9000004C  }
0xb3: {  	s29 =	simm.s32 $0x9;
	_ =	strace $0x8000004E  }
0xb4: {  	_ =	swait.ge [sflag:s29], $0x1  }
0xb5: {  	[sflag:s29] =	ssyncadd.s32 $0xFFFFFFFF  }
0xb6: {  	_ =	strace $0x9000004E  }
0xb7: {  	_ =	sfence  }
0xb8: {  	s30 =	sld [smem:$0x0];
	_ =	sdelay $0x2  }
0xb9: {  	s31 =	sshll.u32 s1, $0xD;
	s1 =	sshrl.u32 s1, $0x2  }
0xba: {  	s3 =	sand.u32 $0x4000, s31;
	s1 =	sadd.s32 s1, s30  }
0xbb: {  	s0 =	sor.u32 s3, s0;
	s1 =	sshll.u32 s1, $0x11  }
0xbc: {  	s0 =	sor.u32 s1, s0  }
0xbd: {  	s0 =	sadd.s32 $0x8F2B, s0  }
0xbe: {  	[sflag:s0] =	ssyncadd.remote.s32 $0x1  }
0xbf: {  	_ =	sfence.sel $0xFFFF  }
0xc0: {  	[dreg:$0x0] =	wrdreg $0xFFFFFFFF;
	(pc) =	sbr.abs _section_cstart, $3  }
0xc1: {  	[dreg:$0x1] =	wrdreg $0xFFFFFFFF  }
0xc2: {  	_ =	task.clear_ibuf [dreg:s7], $0x2FFFF;
	_ =	strace $0x9FFFFFFF  }
0xc3: {  	(tm) =	ssettm $0x7FFFFFFF  }
tec
execute0_lowered:
.L_overlay_start_1:
0x0: {  	(tag) =	ssettag $0x1  }
0x1: {  	s7 =	rddreg [dreg:$0x0]  }
0x2: {  	s0 =	srdreg.scid;
	s12 =	rddreg [dreg:$0x1]  }
0x3: {  	s2 =	rddreg [dreg:$0x2];
	s3 =	simm.s32 $0x0;
	s17 =	simm.s32 $0x2880  }
0x4: {  	s18 =	simm.s32 $0x80;
	s19 =	simm.s32 $0x16500;
	s6 =	sand.u32 $0x1, s0  }
0x5: {  	s20 =	simm.s32 $0x1;
	s0 =	stileid.u32;
	s5 =	smul.u32 $0x13C000, s6  }
0x6: {  	s21 =	simm.s32 $0x1A500;
	s22 =	simm.s32 $0x3;
	s9 =	smul.u32 $0x13C00, s0  }
0x7: {  	s23 =	simm.s32 $0x2;
	s24 =	simm.s32 $0x4;
	s11 =	smul.u32 $0x4F000, s0  }
0x8: {  	[smem:$0x7FF] =	sst s3;
	s4 =	sadd.s32 $0xEA00, s7;
	s26 =	smul.u32 $0x500, s6  }
0x9: {  	s1 =	sshll.u32 s6, $0x4;
	s25 =	ssub.s32 $0x2, s6;
	s14 =	smul.u32 $0x50, s0  }
0xa: {  	s29 =	sshll.u32 s0, $0x6;
	s1 =	sor.u32 s0, s1;
	s28 =	sshrl.u32 s25, $0x1  }
0xb: {  	s6 =	sor.u32 $0x1C05, s29;
	s8 =	smul.u32 $0x500, s1;
	s1 =	rddreg [dreg:$0x3]  }
0xc: {  	_ =	strace $0x8000004D;
	s9 =	sadd.s32 s9, s5;
	s5 =	sadd.s32 $0xC200, s7  }
0xd: {  	s11 =	sshrl.u32 s11, $0x2;
	s15 =	ssub.s32 s25, s28;
	s30 =	sadd.s32 s14, s26  }
0xe: {  	s25 =	simm.s32 $0x2780;
	s26 =	simm.s32 $0x0;
	s9 =	sshrl.u32 s9, $0x3  }
0xf: {  	s16 =	sadd.s32 s11, s2;
	s14 =	sshll.u32 s30, $0x4;
	s11 =	smax.u32 s15, $0x1  }
0x10: {  	s15 =	simm.s32 $0x5;
	s10 =	sadd.s32 s8, s7;
	s13 =	sadd.s32 s9, s7  }
0x11: {  	s7 =	sadd.s32 s12, s8;
	s31 =	sadd.s32 s14, s12;
	s14 =	sshrl.u32 s16, $0x3  }
0x12: {  	s16 =	simm.s32 $0x2800;
	s8 =	sadd.s32 $0x5DA00, s10;
	s9 =	sadd.s32 $0x10, s7  }
0x13: {  	s10 =	sadd.s32 $0x67A00, s13;
	s12 =	sadd.s32 $0x30, s31;
	s13 =	sadd.s32 $0x20, s31  }
.LBB2_1:
0x14: {  	[spmem:s14], [sflag:s6] =	dma.local [hbm:s5], $0x2780  }
0x15: {  	_ =	swait.ge [sflag:s15], $0x2780  }
0x16: {  	[sflag:s15] =	ssyncset.done $0x0  }
0x17: {  	[sflag:s15] =	ssyncadd.s32 $0xFFFFD880  }
0x18: {  	[tilespmem:s3], [sflag:$0x5] =	stream.linear.gather [hbm4b:s8+s3], $0x2800, $0x38;
	[tilespmem:$0x1E500] =	vst v63  }
0x19: {  	_ =	swait.ge [sflag:s15], $0x2800  }
0x1a: {  	[sflag:s15] =	ssyncset.done $0x0  }
0x1b: {  	[sflag:s15] =	ssyncadd.s32 $0xFFFFD800  }
0x1c: {  	[bflag:$0x0] =	sbarrier.arrive $0xFFFF  }
0x1d: {  	[tilespmem:s16], [sflag:$0x3] =	stream.linear.gather [hbm4b:s7+s3], $0x80, $0x38;
	[tilespmem:$0x1E500] =	vst v63  }
0x1e: {  	_ = 	snop  }
0x1f: {  	[tilespmem:s17], [sflag:$0x4] =	stream.linear.gather [hbm4b:s9+s3], $0x80, $0x38;
	[tilespmem:$0x1E500] =	vst v63  }
0x20: {  	_ = 	snop  }
0x21: {  	[tilespmem:s19], [sflag:$0x1] =	stream.indirect.gather [hbm4b:s4+s18], $0x80, s3, s18, $0xb8;
	[tilespmem:$0x1E500] =	vst v63  }
0x22: {  	_ =	swait.ge [sflag:s20], $0x4000  }
0x23: {  	[sflag:s20] =	ssyncset.done $0x0  }
0x24: {  	s28 =	simm.s32 $0x80;
	[sflag:s20] =	ssyncadd.s32 $0xFFFFC000  }
0x25: {  	[tilespmem:s21], [sflag:$0x2] =	stream.indirect.gather [hbm4b:s4+s18], $0x80, s28, s18, $0xb8;
	[tilespmem:$0x1E500] =	vst v63  }
0x26: {  	_ =	swait.ge [sflag:s22], $0x80  }
0x27: {  	[sflag:s22] =	ssyncset.done $0x0  }
0x28: {  	[sflag:s22] =	ssyncadd.s32 $0xFFFFFF80  }
0x29: {  	[spmem:s2] =	stream.indirect.scatter.add.f32 [tilespmem:s19], [sflag:$0x5], $0x80, s16, s18, $0xb8;
	[tilespmem:$0x1E500] =	vst v63  }
0x2a: {  	_ =	swait.ge [sflag:s15], $0x4000  }
0x2b: {  	[sflag:s15] =	ssyncset.done $0x0  }
0x2c: {  	s28 =	sadd.s32 $0x0, s13;
	[sflag:s15] =	ssyncadd.s32 $0xFFFFC000  }
0x2d: {  	[tilespmem:s16], [sflag:$0x3] =	stream.linear.gather [hbm4b:s28+s3], $0x80, $0x38;
	[tilespmem:$0x1E500] =	vst v63  }
0x2e: {  	_ =	swait.ge [sflag:s23], $0x4000  }
0x2f: {  	[sflag:s23] =	ssyncset.done $0x0  }
0x30: {  	s28 =	simm.s32 $0x100;
	[sflag:s23] =	ssyncadd.s32 $0xFFFFC000  }
0x31: {  	[tilespmem:s19], [sflag:$0x1] =	stream.indirect.gather [hbm4b:s4+s18], $0x80, s28, s18, $0xb8;
	[tilespmem:$0x1E500] =	vst v63  }
0x32: {  	_ =	swait.ge [sflag:s24], $0x80  }
0x33: {  	[sflag:s24] =	ssyncset.done $0x0  }
0x34: {  	[sflag:s24] =	ssyncadd.s32 $0xFFFFFF80  }
0x35: {  	[spmem:s2] =	stream.indirect.scatter.add.f32 [tilespmem:s21], [sflag:$0x5], $0x80, s17, s18, $0xb8;
	[tilespmem:$0x1E500] =	vst v63  }
0x36: {  	_ =	swait.ge [sflag:s15], $0x4000  }
0x37: {  	s30 =	sadd.s32 $0x0, s12;
	[sflag:s15] =	ssyncset.done $0x0  }
0x38: {  	s29 =	simm.s32 $0x200;
	s28 =	simm.s32 $0x20;
	[sflag:s15] =	ssyncadd.s32 $0xFFFFC000  }
.LBB2_2:
0x39: {  	[tilespmem:s17], [sflag:$0x4] =	stream.linear.gather [hbm4b:s30+s3], $0x80, $0x38;
	[tilespmem:$0x1E500] =	vst v63  }
0x3a: {  	s30 =	smov.u32 s28  }
0x3b: {  	p0 =	sne.s32 s28, $0x4C0;
	s28 =	sadd.s32 $0x20, s28;
	_ =	swait.ge [sflag:s20], $0x4000  }
0x3c: {  	[sflag:s20] =	ssyncset.done $0x0  }
0x3d: {  	s31 =	sadd.s32 $0xFFFFFF80, s29;
	[sflag:s20] =	ssyncadd.s32 $0xFFFFC000  }
0x3e: {  	[tilespmem:s21], [sflag:$0x2] =	stream.indirect.gather [hbm4b:s4+s18], $0x80, s31, s18, $0xb8;
	[tilespmem:$0x1E500] =	vst v63  }
0x3f: {  	_ =	swait.ge [sflag:s22], $0x80  }
0x40: {  	[sflag:s22] =	ssyncset.done $0x0  }
0x41: {  	[sflag:s22] =	ssyncadd.s32 $0xFFFFFF80  }
0x42: {  	[spmem:s2] =	stream.indirect.scatter.add.f32 [tilespmem:s19], [sflag:$0x5], $0x80, s16, s18, $0xb8;
	[tilespmem:$0x1E500] =	vst v63  }
0x43: {  	_ =	swait.ge [sflag:s15], $0x4000  }
0x44: {  	[sflag:s15] =	ssyncset.done $0x0  }
0x45: {  	s31 =	sadd.s32 s30, s13;
	[sflag:s15] =	ssyncadd.s32 $0xFFFFC000  }
0x46: {  	[tilespmem:s16], [sflag:$0x3] =	stream.linear.gather [hbm4b:s31+s3], $0x80, $0x38;
	[tilespmem:$0x1E500] =	vst v63  }
0x47: {  	_ =	swait.ge [sflag:s23], $0x4000  }
0x48: {  	[sflag:s23] =	ssyncset.done $0x0  }
0x49: {  	[sflag:s23] =	ssyncadd.s32 $0xFFFFC000  }
0x4a: {  	[tilespmem:s19], [sflag:$0x1] =	stream.indirect.gather [hbm4b:s4+s18], $0x80, s29, s18, $0xb8;
	[tilespmem:$0x1E500] =	vst v63  }
0x4b: {  	_ =	swait.ge [sflag:s24], $0x80  }
0x4c: {  	[sflag:s24] =	ssyncset.done $0x0  }
.Ltmp0:
0x4d: {  	[sflag:s24] =	ssyncadd.s32 $0xFFFFFF80;
	(pc) =	sbr.rel @p0 .LBB2_2-.Ltmp0, $4  }
0x4e: {  	[spmem:s2] =	stream.indirect.scatter.add.f32 [tilespmem:s21], [sflag:$0x5], $0x80, s17, s18, $0xb8;
	[tilespmem:$0x1E500] =	vst v63  }
0x4f: {  	_ =	swait.ge [sflag:s15], $0x4000  }
0x50: {  	[sflag:s15] =	ssyncset.done $0x0  }
0x51: {  	s30 =	sadd.s32 s30, s12;
	s29 =	sadd.s32 $0x100, s29;
	[sflag:s15] =	ssyncadd.s32 $0xFFFFC000  }
0x52: {  	[tilespmem:s17], [sflag:$0x4] =	stream.linear.gather [hbm4b:s30+s3], $0x80, $0x38;
	[tilespmem:$0x1E500] =	vst v63  }
0x53: {  	_ =	swait.ge [sflag:s20], $0x4000  }
0x54: {  	[sflag:s20] =	ssyncset.done $0x0  }
0x55: {  	[sflag:s20] =	ssyncadd.s32 $0xFFFFC000  }
0x56: {  	[tilespmem:s21], [sflag:$0x2] =	stream.indirect.gather [hbm4b:s4+s18], $0x80, s25, s18, $0xb8;
	[tilespmem:$0x1E500] =	vst v63  }
0x57: {  	_ =	swait.ge [sflag:s22], $0x80  }
0x58: {  	[sflag:s22] =	ssyncset.done $0x0  }
0x59: {  	[sflag:s22] =	ssyncadd.s32 $0xFFFFFF80  }
0x5a: {  	[spmem:s2] =	stream.indirect.scatter.add.f32 [tilespmem:s19], [sflag:$0x5], $0x80, s16, s18, $0xb8;
	[tilespmem:$0x1E500] =	vst v63  }
0x5b: {  	_ =	swait.ge [sflag:s15], $0x4000  }
0x5c: {  	[sflag:s15] =	ssyncset.done $0x0  }
0x5d: {  	[sflag:s15] =	ssyncadd.s32 $0xFFFFC000  }
0x5e: {  	_ =	swait.ge [sflag:s23], $0x4000  }
0x5f: {  	[sflag:s23] =	ssyncset.done $0x0  }
0x60: {  	[sflag:s23] =	ssyncadd.s32 $0xFFFFC000  }
0x61: {  	_ =	swait.ge [sflag:s24], $0x80  }
0x62: {  	[sflag:s24] =	ssyncset.done $0x0  }
0x63: {  	[sflag:s24] =	ssyncadd.s32 $0xFFFFFF80  }
0x64: {  	[spmem:s2] =	stream.indirect.scatter.add.f32 [tilespmem:s21], [sflag:$0x5], $0x80, s17, s18, $0xb8;
	[tilespmem:$0x1E500] =	vst v63  }
0x65: {  	_ =	swait.ge [sflag:s15], $0x4000  }
0x66: {  	s26 =	sadd.s32 $0x1, s26;
	[sflag:s15] =	ssyncset.done $0x0  }
0x67: {  	p0 =	sne.s32 s26, s11;
	[sflag:s15] =	ssyncadd.s32 $0xFFFFC000  }
.Ltmp1:
0x68: {  	[bflag:$0x0] =	sbarrier.arrive $0xFFFF;
	(pc) =	sbr.rel @p0 .LBB2_1-.Ltmp1, $4  }
0x69: {  	[hbm:s10], [sflag:s6] =	dma.local [spmem:s14], $0x2780  }
0x6a: {  	_ =	swait.ge [sflag:s15], $0x2780  }
0x6b: {  	[sflag:s15] =	ssyncset.done $0x0  }
0x6c: {  	[sflag:s15] =	ssyncadd.s32 $0xFFFFD880  }
0x6d: {  	_ =	sfence.sel $0x180000  }
0x6e: {  	[bflag:$0x0] =	sbarrier.arrive $0xFFFF  }
0x6f: {  	p0 =	sne.s32 s0, $0x0;
	_ =	strace $0x9000004D  }
0x70: {  	s0 =	sadd.s32 @!p0 $0x100000, s1;
	[bflag:$0x2] =	sbarrier.arrive $0xFFFF  }
0x71: {  	[sflag:s0] =	ssyncadd.tile.s32 @!p0 $0x1;
	_ =	shalt  }
.Lfunc_end2:
_tile_overlayer_lowered:
.L_overlay_start_2:
0x72: {  	(tag) =	ssettag $0x2  }
0x73: {  	s0 =	rddreg [dreg:$0x0];
	s2 =	stileid.u32  }
0x74: {  	s1 =	rddreg [dreg:$0x1];
	p0 =	sne.s32 s2, $0x0  }
0x75: {  	s3 =	rddreg [dreg:$0x2];
	[bflag:$0x3] =	sbarrier.arrive $0xFFFF;
	s2 =	simm.s32 @!p0 $0x1C05  }
0x76: {  	[timem:s3], [sflag:s2] =	dma.local @!p0 [hbm:s0], s1  }
0x77: {  	s0 =	simm.s32 @!p0 $0x5  }
0x78: {  	_ =	swait.ge @!p0 [sflag:s0], s1  }
0x79: {  	s1 =	ssub.s32 @!p0 $0x0, s1;
	[sflag:s0] =	ssyncset.done @!p0 $0x0  }
0x7a: {  	[sflag:s0] =	ssyncadd.s32 @!p0 s1  }
0x7b: {  	[bflag:$0x3] =	sbarrier.arrive $0xFFFF  }
0x7c: {  	_ =	shalt  }

// kernel: kernel.7.cloned.1.call-start
scs
__scs_entry_jumppad:
0x0: {  	(pc) =	sbr.rel $0x88, $3  }
0x1: {  	(tag) =	ssettag $0x0;
	lr =	simm.s32 $0x1  }
0x2: {  	[smem:$0x3F9A] =	sst lr;
	_ =	strace $0xD0000000  }
0x3: {  	_ = 	snop  }
0x4: {  	_ = 	snop  }
0x5: {  	_ = 	snop  }
0x6: {  	_ = 	snop  }
0x7: {  	_ = 	snop  }
__scs_overlays_trampoline_lowered:
0x8: {  	[smem:$0x3FA9] =	sst s0  }
0x9: {  	[smem:$0x3FAA] =	sst s1  }
0xa: {  	[smem:$0x3FAB] =	sst s2  }
0xb: {  	[smem:$0x3FAC] =	sst s3  }
0xc: {  	[smem:$0x3FAD] =	sst s4  }
0xd: {  	[smem:$0x3FAE] =	sst s5  }
0xe: {  	[smem:$0x3FAF] =	sst s6  }
0xf: {  	[smem:$0x3FB0] =	sst s7  }
0x10: {  	[smem:$0x3FB1] =	sst s8  }
0x11: {  	[smem:$0x3FB2] =	sst s9;
	s0 =	simm.s32 @!p0 $0x0  }
0x12: {  	s1 =	sld [smem:$0x3F98];
	s0 =	simm.s32 @p0 $0x1  }
0x13: {  	[smem:$0x3FB3] =	sst s0;
	s0 =	simm.s32 @!p1 $0x0  }
0x14: {  	s2 =	sld [smem:$0x3F97];
	s0 =	simm.s32 @p1 $0x1  }
0x15: {  	[smem:$0x3FB4] =	sst s0;
	s0 =	simm.s32 @!p2 $0x0  }
0x16: {  	s3 =	sld [smem:$0x3FDB];
	s0 =	simm.s32 @p2 $0x1  }
0x17: {  	s4 =	simm.s32 $0x1BF5;
	[smem:$0x3FB6] =	sst s0  }
0x18: {  	s0 =	sld [smem:$0x3F99];
	_ =	swait.ge [sflag:s4], $0x0  }
0x19: {  	s7 =	sld [smem:$0x3F9A]  }
0x1a: {  	s8 =	sadd.s32 $0xFFFFE003, lr  }
0x1b: {  	s9 =	sadd.s32 $0xFFFFFEF7, lr;
	s5 =	simm.s32 $0xFFFFFFFF;
	p2 =	slt.u32 s8, $0xFFFFF086  }
0x1c: {  	p1 =	slt.u32 s9, $0xF7A;
	s5 =	simm.s32 @!p2 $0x0  }
0x1d: {  	s5 =	simm.s32 @p1 $0x1;
	p0 =	seq.s32 s7, s2  }
0x1e: {  	s7 =	smul.u32 @!p0 $0xF7A, s2;
	p2 =	seq.s32 @!p0 s5, $0x0  }
0x1f: {  	s9 =	smul.u32 $0xF7A, s1;
	s8 =	simm.s32 @!p0 $0x1BF5;
	p2 =	por !p2, p0  }
0x20: {  	[sflag:s8] =	ssyncset.s32 @!p0 $0xFFFFF086;
	s6 =	sadd.s32 @!p0 s3, s7;
	s7 =	simm.s32 @!p0 $0x108  }
0x21: {  	s3 =	sadd.s32 s3, s9;
	s6 =	sadd.s32 @!p0 $0x88, s6;
	s7 =	simm.s32 @p2 $0x1082  }
0x22: {  	[simem:s7], [sflag:s8] =	dma.local @!p0 [hbm:s6], $0xF7A  }
0x23: {  	s9 =	sor.u32 $0xD0000000, s2;
	s6 =	simm.s32 $0x108;
	_ =	swait.ge @!p0 [sflag:s8], $0x0  }
0x24: {  	s3 =	sadd.s32 $0x88, s3;
	s6 =	simm.s32 @!p1 $0x1082;
	[sflag:s4] =	ssyncset.s32 $0xFFFFF086  }
0x25: {  	[simem:s6], [sflag:s4] =	dma.local [hbm:s3], $0xF7A  }
0x26: {  	[smem:$0x3F9A] =	sst s1;
	(tag) =	ssettag s2;
	_ =	strace s9  }
0x27: {  	s1 =	sld [smem:$0x3FAA]  }
0x28: {  	s2 =	sld [smem:$0x3FAB]  }
0x29: {  	s4 =	sld [smem:$0x3FAD]  }
0x2a: {  	p0 =	seq.s32 s5, $0x0;
	s5 =	sld [smem:$0x3FAE]  }
0x2b: {  	s6 =	sld [smem:$0x3FAF]  }
0x2c: {  	s7 =	sld [smem:$0x3FB0]  }
0x2d: {  	s3 =	simm.s32 $0x108;
	s8 =	sld [smem:$0x3FB1]  }
0x2e: {  	s3 =	simm.s32 @!p0 $0x1082;
	s9 =	sld [smem:$0x3FB2]  }
0x2f: {  	lr =	sadd.s32 s0, s3;
	s0 =	sld [smem:$0x3FA9]  }
0x30: {  	s3 =	sld [smem:$0x3FAC]  }
0x31: {  	[smem:$0x3FB5] =	sst s10  }
0x32: {  	s10 =	sld [smem:$0x3FB3];
	_ =	sdelay $0x3  }
0x33: {  	p0 =	seq.s32 s10, $0x1;
	s10 =	sld [smem:$0x3FB5];
	_ =	sdelay $0x3  }
0x34: {  	[smem:$0x3FB5] =	sst s10  }
0x35: {  	s10 =	sld [smem:$0x3FB4];
	_ =	sdelay $0x3  }
0x36: {  	p1 =	seq.s32 s10, $0x1;
	s10 =	sld [smem:$0x3FB5];
	_ =	sdelay $0x3  }
0x37: {  	[smem:$0x3FB5] =	sst s10  }
0x38: {  	s10 =	sld [smem:$0x3FB6]  }
0x39: {  	_ = 	snop;
	(pc) =	sbr.ind lr, $3  }
0x3a: {  	_ = 	snop  }
0x3b: {  	_ = 	snop  }
0x3c: {  	p2 =	seq.s32 s10, $0x1;
	s10 =	sld [smem:$0x3FB5]  }
0x3d: {  	_ =	shalt  }
0x3e: {  	_ =	shalt  }
0x3f: {  	_ =	shalt  }
0x40: {  	_ =	shalt  }
0x41: {  	_ =	shalt  }
0x42: {  	_ =	shalt  }
0x43: {  	_ =	shalt  }
0x44: {  	_ =	shalt  }
0x45: {  	_ =	shalt  }
0x46: {  	_ =	shalt  }
0x47: {  	_ =	shalt  }
0x48: {  	_ =	shalt  }
0x49: {  	_ =	shalt  }
0x4a: {  	_ =	shalt  }
0x4b: {  	_ =	shalt  }
0x4c: {  	_ =	shalt  }
0x4d: {  	_ =	shalt  }
0x4e: {  	_ =	shalt  }
0x4f: {  	_ =	shalt  }
0x50: {  	_ =	shalt  }
0x51: {  	_ =	shalt  }
0x52: {  	_ =	shalt  }
0x53: {  	_ =	shalt  }
0x54: {  	_ =	shalt  }
0x55: {  	_ =	shalt  }
0x56: {  	_ =	shalt  }
0x57: {  	_ =	shalt  }
0x58: {  	_ =	shalt  }
0x59: {  	_ =	shalt  }
0x5a: {  	_ =	shalt  }
0x5b: {  	_ =	shalt  }
0x5c: {  	_ =	shalt  }
0x5d: {  	_ =	shalt  }
0x5e: {  	_ =	shalt  }
0x5f: {  	_ =	shalt  }
0x60: {  	_ =	shalt  }
0x61: {  	_ =	shalt  }
0x62: {  	_ =	shalt  }
0x63: {  	_ =	shalt  }
0x64: {  	_ =	shalt  }
0x65: {  	_ =	shalt  }
0x66: {  	_ =	shalt  }
0x67: {  	_ =	shalt  }
0x68: {  	_ =	shalt  }
0x69: {  	_ =	shalt  }
0x6a: {  	_ =	shalt  }
0x6b: {  	_ =	shalt  }
0x6c: {  	_ =	shalt  }
0x6d: {  	_ =	shalt  }
0x6e: {  	_ =	shalt  }
0x6f: {  	_ =	shalt  }
0x70: {  	_ =	shalt  }
0x71: {  	_ =	shalt  }
0x72: {  	_ =	shalt  }
0x73: {  	_ =	shalt  }
0x74: {  	_ =	shalt  }
0x75: {  	_ =	shalt  }
0x76: {  	_ =	shalt  }
0x77: {  	_ =	shalt  }
0x78: {  	_ =	shalt  }
0x79: {  	_ =	shalt  }
0x7a: {  	_ =	shalt  }
0x7b: {  	_ =	shalt  }
0x7c: {  	_ =	shalt  }
0x7d: {  	_ =	shalt  }
0x7e: {  	_ =	shalt  }
0x7f: {  	_ =	shalt  }
0x80: {  	_ =	shalt  }
0x81: {  	_ =	shalt  }
0x82: {  	_ =	shalt  }
0x83: {  	_ =	shalt  }
0x84: {  	_ =	shalt  }
0x85: {  	_ =	shalt  }
0x86: {  	_ =	shalt  }
0x87: {  	_ =	shalt  }
.Lfunc_end0:
.L_simem_size_0:
called_computation_lowered:
.L_overlay_start_0:
0x88: {  	s2 =	sld [smem:$0x3FD9]  }
0x89: {  	s3 =	sld [smem:$0x3FFE];
	_ =	sdelay $0x1  }
0x8a: {  	s1 =	srdreg.scid  }
0x8b: {  	s0 =	sand.u32 $0x1, s1  }
0x8c: {  	s17 =	sshll.u32 s0, $0xA;
	s2 =	sadd.s32 s3, s2  }
0x8d: {  	s2 =	sadd.s32 s2, s17  }
0x8e: {  	[smem:$0x3FC1] =	sst s2  }
0x8f: {  	_ = 	snop  }
0x90: {  	s2 =	sld [smem:$0x3FD0];
	(tm) =	ssettm $0x1  }
0x91: {  	s18 =	sld [smem:$0x3FFB];
	_ =	sdelay $0x3  }
0x92: {  	_ =	strace s18  }
0x93: {  	s3 =	sld [smem:$0x3FFC];
	_ =	sdelay $0x3  }
0x94: {  	_ =	strace s3  }
0x95: {  	s3 =	sld [smem:$0x3FFD];
	_ =	sdelay $0x3  }
0x96: {  	_ =	strace s3  }
0x97: {  	_ =	strace $0x8FFFFFFF  }
0x98: {  	s19 =	sld [smem:$0x3FDB];
	_ =	sdelay $0x1  }
0x99: {  	s4 =	simm.s32 $_scs_section_size  }
0x9a: {  	s5 =	simm.s32 $_size__tile_overlayer_lowered;
	s6 =	simm.s32 $_tile_overlayer_lowered  }
0x9b: {  	s22 =	simm.s32 $0x1BFF;
	s21 =	sshll.u32 s6, $0x1;
	s3 =	sadd.s32 s4, s19  }
0x9c: {  	s7 =	simm.s32 $0x0;
	s20 =	sshll.u32 s5, $0x1;
	s5 =	sadd.s32 s21, s3  }
0x9d: {  	[timem:s7], [sflag:s22] =	dma.local [hbm:s5], s20  }
0x9e: {  	_ =	swait.ge [sflag:s22], s20  }
0x9f: {  	s4 =	ssub.s32 $0x0, s20;
	[sflag:s22] =	ssyncset.done $0x0  }
0xa0: {  	[sflag:s22] =	ssyncadd.s32 s4;
	_ =	sdelay $0x1  }
0xa1: {  	s23 =	simm.s32 $0x1B8B  }
0xa2: {  	_ =	swait.ge [sflag:s23], $0x1  }
0xa3: {  	[sflag:s23] =	ssyncset.done $0x0  }
0xa4: {  	s25 =	simm.s32 $0x1B8E;
	s24 =	sld [smem:$0x3FFE];
	[sflag:s23] =	ssyncadd.s32 $0xFFFFFFFF  }
0xa5: {  	s26 =	simm.s32 $execute0_lowered;
	[smem:$0x3FD2] =	sst s25  }
0xa6: {  	s5 =	sshll.u32 s26, $0x1;
	_ =	strace $0x80000046;
	[dreg:$0x1] =	wrdreg $0xFFFFFFFF  }
0xa7: {  	s28 =	simm.s32 $_size_execute0_lowered;
	s3 =	sadd.s32 s3, s5;
	[dreg:$0x0] =	wrdreg $0x0  }
0xa8: {  	s5 =	sshll.u32 s28, $0x1;
	[dreg:$0x2] =	wrdreg s3  }
0xa9: {  	[dreg:$0x3] =	wrdreg s5  }
0xaa: {  	[dreg:$0x4] =	wrdreg $0xC0  }
0xab: {  	_ =	task [dreg:s7], $0x5FFFF  }
0xac: {  	[dreg:$0x1] =	wrdreg $0xFFFFFFFF  }
0xad: {  	[dreg:$0x0] =	wrdreg $0x60  }
0xae: {  	[dreg:$0x2] =	wrdreg s24  }
0xaf: {  	[dreg:$0x3] =	wrdreg s2  }
0xb0: {  	[dreg:$0x4] =	wrdreg $0x1000  }
0xb1: {  	[dreg:$0x5] =	wrdreg $0x9  }
0xb2: {  	_ =	task.clear_ibuf [dreg:s7], $0x6FFFF;
	_ =	strace $0x90000046  }
0xb3: {  	s29 =	simm.s32 $0x9;
	_ =	strace $0x80000048  }
0xb4: {  	_ =	swait.ge [sflag:s29], $0x1  }
0xb5: {  	[sflag:s29] =	ssyncadd.s32 $0xFFFFFFFF  }
0xb6: {  	_ =	strace $0x90000048  }
0xb7: {  	_ =	sfence  }
0xb8: {  	s30 =	sld [smem:$0x0];
	_ =	sdelay $0x2  }
0xb9: {  	s31 =	sshll.u32 s1, $0xD;
	s1 =	sshrl.u32 s1, $0x2  }
0xba: {  	s3 =	sand.u32 $0x4000, s31;
	s1 =	sadd.s32 s1, s30  }
0xbb: {  	s0 =	sor.u32 s3, s0;
	s1 =	sshll.u32 s1, $0x11  }
0xbc: {  	s0 =	sor.u32 s1, s0  }
0xbd: {  	s0 =	sadd.s32 $0x8F2B, s0  }
0xbe: {  	[sflag:s0] =	ssyncadd.remote.s32 $0x1  }
0xbf: {  	_ =	sfence.sel $0xFFFF  }
0xc0: {  	[dreg:$0x0] =	wrdreg $0xFFFFFFFF;
	(pc) =	sbr.abs _section_cstart, $3  }
0xc1: {  	[dreg:$0x1] =	wrdreg $0xFFFFFFFF  }
0xc2: {  	_ =	task.clear_ibuf [dreg:s7], $0x2FFFF;
	_ =	strace $0x9FFFFFFF  }
0xc3: {  	(tm) =	ssettm $0x7FFFFFFF  }
tec
execute0_lowered:
.L_overlay_start_1:
0x0: {  	(tag) =	ssettag $0x1  }
0x1: {  	s2 =	srdreg.scid  }
0x2: {  	s7 =	sand.u32 $0x1, s2  }
0x3: {  	s2 =	stileid.u32;
	s6 =	smul.u32 $0x13C000, s7  }
0x4: {  	s5 =	rddreg [dreg:$0x0];
	s8 =	smul.u32 $0x13C00, s2  }
0x5: {  	s12 =	rddreg [dreg:$0x1];
	s10 =	smul.u32 $0x4F000, s2  }
0x6: {  	s1 =	rddreg [dreg:$0x2];
	s17 =	smul.u32 $0x500, s7  }
0x7: {  	s0 =	rddreg [dreg:$0x3];
	s3 =	simm.s32 $0x0;
	s19 =	smul.u32 $0x50, s2  }
0x8: {  	[smem:$0x7FF] =	sst s3;
	s4 =	sshll.u32 s7, $0x4;
	s20 =	smul.u32 $0x1400000, s7  }
0x9: {  	s15 =	sadd.s32 $0x9C6600, s5;
	s25 =	smul.u32 $0x140000, s2;
	s9 =	sor.u32 s2, s4  }
0xa: {  	_ =	strace $0x80000047;
	s11 =	ssub.s32 $0x2, s7;
	s21 =	smul.u32 $0x500, s9  }
0xb: {  	s24 =	sshll.u32 s2, $0x6;
	s4 =	sadd.s32 $0xC200, s5;
	s13 =	smul.u32 $0x28000, s9  }
0xc: {  	s22 =	sshrl.u32 s11, $0x1;
	s6 =	sadd.s32 s8, s6;
	s16 =	smul.u32 $0x140000, s9  }
0xd: {  	s11 =	ssub.s32 s11, s22;
	s23 =	sshrl.u32 s10, $0x2;
	s28 =	sadd.s32 s19, s17  }
0xe: {  	s17 =	simm.s32 $0x5;
	s19 =	simm.s32 $0x13D00;
	s22 =	simm.s32 $0x3  }
0xf: {  	s6 =	sshrl.u32 s6, $0x3;
	s18 =	sadd.s32 s23, s1;
	s10 =	smax.u32 s11, $0x1  }
0x10: {  	s23 =	simm.s32 $0x2;
	s14 =	sadd.s32 s6, s5;
	s5 =	sor.u32 $0x1C05, s24  }
0x11: {  	s6 =	sadd.s32 s12, s21;
	s8 =	sadd.s32 s15, s13;
	s26 =	sshrl.u32 s16, $0x3  }
0x12: {  	s13 =	sadd.s32 s25, s20;
	s20 =	simm.s32 $0x1;
	s21 =	simm.s32 $0x17D00  }
0x13: {  	s24 =	simm.s32 $0x4;
	s25 =	simm.s32 $0x0;
	s7 =	sadd.s32 $0x10, s6  }
0x14: {  	s9 =	sadd.s32 $0xEA00, s14;
	s11 =	sadd.s32 s15, s26;
	s14 =	sshll.u32 s28, $0x4  }
0x15: {  	s29 =	sor.u32 $0x8000, s13;
	s30 =	sor.u32 $0x4000, s13;
	s11 =	sadd.s32 $0x27800, s11  }
0x16: {  	s14 =	sadd.s32 s14, s12;
	s16 =	sshrl.u32 s29, $0x3;
	s31 =	sshrl.u32 s30, $0x3  }
0x17: {  	s12 =	sadd.s32 $0x30, s14;
	s13 =	sadd.s32 s16, s15;
	s14 =	sadd.s32 $0x20, s14  }
0x18: {  	s15 =	sadd.s32 s31, s15;
	s16 =	sshrl.u32 s18, $0x3;
	s18 =	simm.s32 $0x80  }
.LBB2_1:
0x19: {  	[spmem:s16], [sflag:s5] =	dma.local [hbm:s4], $0x2780  }
0x1a: {  	_ =	swait.ge [sflag:s17], $0x2780  }
0x1b: {  	[sflag:s17] =	ssyncset.done $0x0  }
0x1c: {  	[sflag:s17] =	ssyncadd.s32 $0xFFFFD880  }
0x1d: {  	[bflag:$0x0] =	sbarrier.arrive $0xFFFF  }
0x1e: {  	[tilespmem:s3], [sflag:$0x3] =	stream.linear.gather [hbm4b:s6+s3], $0x80, $0x38;
	[tilespmem:$0x1BD00] =	vst v63  }
0x1f: {  	_ = 	snop  }
0x20: {  	[tilespmem:s18], [sflag:$0x4] =	stream.linear.gather [hbm4b:s7+s3], $0x80, $0x38;
	[tilespmem:$0x1BD00] =	vst v63  }
0x21: {  	_ = 	snop  }
0x22: {  	[tilespmem:s19], [sflag:$0x1] =	stream.linear.gather [hbm4b:s8+s3], $0x4000, $0x38;
	[tilespmem:$0x1BD00] =	vst v63  }
0x23: {  	_ =	swait.ge [sflag:s20], $0x4000  }
0x24: {  	[sflag:s20] =	ssyncset.done $0x0  }
0x25: {  	[sflag:s20] =	ssyncadd.s32 $0xFFFFC000  }
0x26: {  	[tilespmem:s21], [sflag:$0x2] =	stream.linear.gather [hbm4b:s15+s3], $0x4000, $0x38;
	[tilespmem:$0x1BD00] =	vst v63  }
0x27: {  	_ =	swait.ge [sflag:s22], $0x80  }
0x28: {  	[sflag:s22] =	ssyncset.done $0x0  }
0x29: {  	[sflag:s22] =	ssyncadd.s32 $0xFFFFFF80  }
0x2a: {  	[spmem:s1] =	stream.indirect.scatter.add.f32 [tilespmem:s19], [sflag:$0x5], $0x80, s3, s18, $0xb8;
	[tilespmem:$0x1BD00] =	vst v63  }
0x2b: {  	_ =	swait.ge [sflag:s17], $0x4000  }
0x2c: {  	[sflag:s17] =	ssyncset.done $0x0  }
0x2d: {  	s26 =	sadd.s32 $0x0, s14;
	[sflag:s17] =	ssyncadd.s32 $0xFFFFC000  }
0x2e: {  	[tilespmem:s3], [sflag:$0x3] =	stream.linear.gather [hbm4b:s26+s3], $0x80, $0x38;
	[tilespmem:$0x1BD00] =	vst v63  }
0x2f: {  	_ =	swait.ge [sflag:s23], $0x4000  }
0x30: {  	[sflag:s23] =	ssyncset.done $0x0  }
0x31: {  	[sflag:s23] =	ssyncadd.s32 $0xFFFFC000  }
0x32: {  	[tilespmem:s19], [sflag:$0x1] =	stream.linear.gather [hbm4b:s13+s3], $0x4000, $0x38;
	[tilespmem:$0x1BD00] =	vst v63  }
0x33: {  	_ =	swait.ge [sflag:s24], $0x80  }
0x34: {  	[sflag:s24] =	ssyncset.done $0x0  }
0x35: {  	[sflag:s24] =	ssyncadd.s32 $0xFFFFFF80  }
0x36: {  	[spmem:s1] =	stream.indirect.scatter.add.f32 [tilespmem:s21], [sflag:$0x5], $0x80, s18, s18, $0xb8;
	[tilespmem:$0x1BD00] =	vst v63  }
0x37: {  	_ =	swait.ge [sflag:s17], $0x4000  }
0x38: {  	s28 =	sadd.s32 $0x1000, s15;
	s30 =	sadd.s32 $0x0, s12;
	[sflag:s17] =	ssyncset.done $0x0  }
0x39: {  	s29 =	sadd.s32 $0x1000, s13;
	s26 =	simm.s32 $0x20;
	[sflag:s17] =	ssyncadd.s32 $0xFFFFC000  }
.LBB2_2:
0x3a: {  	[tilespmem:s18], [sflag:$0x4] =	stream.linear.gather [hbm4b:s30+s3], $0x80, $0x38;
	[tilespmem:$0x1BD00] =	vst v63  }
0x3b: {  	s30 =	smov.u32 s26  }
0x3c: {  	p0 =	sne.s32 s26, $0x4C0;
	s26 =	sadd.s32 $0x20, s26;
	_ =	swait.ge [sflag:s20], $0x4000  }
0x3d: {  	[sflag:s20] =	ssyncset.done $0x0  }
0x3e: {  	[sflag:s20] =	ssyncadd.s32 $0xFFFFC000  }
0x3f: {  	[tilespmem:s21], [sflag:$0x2] =	stream.linear.gather [hbm4b:s28+s3], $0x4000, $0x38;
	[tilespmem:$0x1BD00] =	vst v63  }
0x40: {  	_ =	swait.ge [sflag:s22], $0x80  }
0x41: {  	[sflag:s22] =	ssyncset.done $0x0  }
0x42: {  	[sflag:s22] =	ssyncadd.s32 $0xFFFFFF80  }
0x43: {  	[spmem:s1] =	stream.indirect.scatter.add.f32 [tilespmem:s19], [sflag:$0x5], $0x80, s3, s18, $0xb8;
	[tilespmem:$0x1BD00] =	vst v63  }
0x44: {  	_ =	swait.ge [sflag:s17], $0x4000  }
0x45: {  	[sflag:s17] =	ssyncset.done $0x0  }
0x46: {  	s31 =	sadd.s32 s30, s14;
	[sflag:s17] =	ssyncadd.s32 $0xFFFFC000  }
0x47: {  	[tilespmem:s3], [sflag:$0x3] =	stream.linear.gather [hbm4b:s31+s3], $0x80, $0x38;
	[tilespmem:$0x1BD00] =	vst v63  }
0x48: {  	_ =	swait.ge [sflag:s23], $0x4000  }
0x49: {  	[sflag:s23] =	ssyncset.done $0x0  }
0x4a: {  	[sflag:s23] =	ssyncadd.s32 $0xFFFFC000  }
0x4b: {  	[tilespmem:s19], [sflag:$0x1] =	stream.linear.gather [hbm4b:s29+s3], $0x4000, $0x38;
	[tilespmem:$0x1BD00] =	vst v63  }
0x4c: {  	_ =	swait.ge [sflag:s24], $0x80  }
0x4d: {  	[sflag:s24] =	ssyncset.done $0x0  }
.Ltmp0:
0x4e: {  	[sflag:s24] =	ssyncadd.s32 $0xFFFFFF80;
	(pc) =	sbr.rel @p0 .LBB2_2-.Ltmp0, $4  }
0x4f: {  	[spmem:s1] =	stream.indirect.scatter.add.f32 [tilespmem:s21], [sflag:$0x5], $0x80, s18, s18, $0xb8;
	[tilespmem:$0x1BD00] =	vst v63  }
0x50: {  	_ =	swait.ge [sflag:s17], $0x4000  }
0x51: {  	s28 =	sadd.s32 $0x1000, s28;
	[sflag:s17] =	ssyncset.done $0x0  }
0x52: {  	s30 =	sadd.s32 s30, s12;
	s29 =	sadd.s32 $0x1000, s29;
	[sflag:s17] =	ssyncadd.s32 $0xFFFFC000  }
0x53: {  	[tilespmem:s18], [sflag:$0x4] =	stream.linear.gather [hbm4b:s30+s3], $0x80, $0x38;
	[tilespmem:$0x1BD00] =	vst v63  }
0x54: {  	_ =	swait.ge [sflag:s20], $0x4000  }
0x55: {  	[sflag:s20] =	ssyncset.done $0x0  }
0x56: {  	[sflag:s20] =	ssyncadd.s32 $0xFFFFC000  }
0x57: {  	[tilespmem:s21], [sflag:$0x2] =	stream.linear.gather [hbm4b:s11+s3], $0x4000, $0x38;
	[tilespmem:$0x1BD00] =	vst v63  }
0x58: {  	_ =	swait.ge [sflag:s22], $0x80  }
0x59: {  	[sflag:s22] =	ssyncset.done $0x0  }
0x5a: {  	[sflag:s22] =	ssyncadd.s32 $0xFFFFFF80  }
0x5b: {  	[spmem:s1] =	stream.indirect.scatter.add.f32 [tilespmem:s19], [sflag:$0x5], $0x80, s3, s18, $0xb8;
	[tilespmem:$0x1BD00] =	vst v63  }
0x5c: {  	_ =	swait.ge [sflag:s17], $0x4000  }
0x5d: {  	[sflag:s17] =	ssyncset.done $0x0  }
0x5e: {  	[sflag:s17] =	ssyncadd.s32 $0xFFFFC000  }
0x5f: {  	_ =	swait.ge [sflag:s23], $0x4000  }
0x60: {  	[sflag:s23] =	ssyncset.done $0x0  }
0x61: {  	[sflag:s23] =	ssyncadd.s32 $0xFFFFC000  }
0x62: {  	_ =	swait.ge [sflag:s24], $0x80  }
0x63: {  	[sflag:s24] =	ssyncset.done $0x0  }
0x64: {  	[sflag:s24] =	ssyncadd.s32 $0xFFFFFF80  }
0x65: {  	[spmem:s1] =	stream.indirect.scatter.add.f32 [tilespmem:s21], [sflag:$0x5], $0x80, s18, s18, $0xb8;
	[tilespmem:$0x1BD00] =	vst v63  }
0x66: {  	_ =	swait.ge [sflag:s17], $0x4000  }
0x67: {  	s25 =	sadd.s32 $0x1, s25;
	[sflag:s17] =	ssyncset.done $0x0  }
0x68: {  	p0 =	sne.s32 s25, s10;
	[sflag:s17] =	ssyncadd.s32 $0xFFFFC000  }
.Ltmp1:
0x69: {  	[bflag:$0x0] =	sbarrier.arrive $0xFFFF;
	(pc) =	sbr.rel @p0 .LBB2_1-.Ltmp1, $4  }
0x6a: {  	[hbm:s9], [sflag:s5] =	dma.local [spmem:s16], $0x2780  }
0x6b: {  	_ =	swait.ge [sflag:s17], $0x2780  }
0x6c: {  	[sflag:s17] =	ssyncset.done $0x0  }
0x6d: {  	[sflag:s17] =	ssyncadd.s32 $0xFFFFD880  }
0x6e: {  	_ =	sfence.sel $0x180000  }
0x6f: {  	[bflag:$0x0] =	sbarrier.arrive $0xFFFF  }
0x70: {  	p0 =	sne.s32 s2, $0x0;
	_ =	strace $0x90000047  }
0x71: {  	s0 =	sadd.s32 @!p0 $0x100000, s0;
	[bflag:$0x2] =	sbarrier.arrive $0xFFFF  }
0x72: {  	[sflag:s0] =	ssyncadd.tile.s32 @!p0 $0x1;
	_ =	shalt  }
.Lfunc_end2:
_tile_overlayer_lowered:
.L_overlay_start_2:
0x73: {  	(tag) =	ssettag $0x2  }
0x74: {  	s0 =	rddreg [dreg:$0x0];
	s2 =	stileid.u32  }
0x75: {  	s1 =	rddreg [dreg:$0x1];
	p0 =	sne.s32 s2, $0x0  }
0x76: {  	s3 =	rddreg [dreg:$0x2];
	[bflag:$0x3] =	sbarrier.arrive $0xFFFF;
	s2 =	simm.s32 @!p0 $0x1C05  }
0x77: {  	[timem:s3], [sflag:s2] =	dma.local @!p0 [hbm:s0], s1  }
0x78: {  	s0 =	simm.s32 @!p0 $0x5  }
0x79: {  	_ =	swait.ge @!p0 [sflag:s0], s1  }
0x7a: {  	s1 =	ssub.s32 @!p0 $0x0, s1;
	[sflag:s0] =	ssyncset.done @!p0 $0x0  }
0x7b: {  	[sflag:s0] =	ssyncadd.s32 @!p0 s1  }
0x7c: {  	[bflag:$0x3] =	sbarrier.arrive $0xFFFF  }
0x7d: {  	_ =	shalt  }

</sc_bundles>
